<compile_context>
chip_gen: v7x
topology: tpu7x:2x2x1
jax: 0.10.2.dev20260603
libtpu: 0.0.44.dev20260713+nightly
codegen_flags: <defaults>
</compile_context>

<pallas_src>
import functools

import jax
import jax.numpy as jnp
from jax import lax
from jax.experimental import pallas as pl
from jax.experimental.pallas import tpu as pltpu
from jax.experimental.pallas import tpu_sc as plsc

_LANES = 16


@functools.lru_cache(maxsize=None)
def _make_edge_cols_kernel(total: int, bsz: int):
    info = plsc.get_sparse_core_info()
    nw = 1 * info.num_subcores
    n_edges = 2 * (total - bsz)
    assert n_edges % _LANES == 0
    ch = -(-n_edges // nw)
    ch = -(-ch // _LANES) * _LANES
    last = n_edges - (nw - 1) * ch
    assert 0 < last <= ch and last % _LANES == 0 and ch % 8 == 0
    rows = ch // _LANES

    mesh = plsc.VectorSubcoreMesh(core_axis_name="c", subcore_axis_name="s", num_cores=1)

    @functools.partial(
        pl.kernel,
        mesh=mesh,
        out_type=(
            jax.ShapeDtypeStruct((n_edges,), jnp.int32),
            jax.ShapeDtypeStruct((n_edges,), jnp.int32),
        ),
        scratch_types=[
            pltpu.VMEM((_LANES,), jnp.int32),
            pltpu.VMEM((ch,), jnp.int32),
            pltpu.VMEM((ch,), jnp.int32),
        ],
    )
    def k(rl_hbm, c0_hbm, c1_hbm, rl_v, buf0, buf1):
        wid = lax.axis_index("s")

        pltpu.sync_copy(rl_hbm, rl_v)
        rl_vec = rl_v[...]
        thr = []
        run = None
        for t in range(bsz - 1):
            rl_b = rl_vec.at[jnp.full((_LANES,), t, jnp.int32)].get(
                mode="promise_in_bounds")
            run = (rl_b - 1) if run is None else run + (rl_b - 1)
            thr.append(run)

        iota = lax.iota(jnp.int32, _LANES)
        lane_i = iota >> 1
        par = iota & 1
        base0 = lane_i + par + (bsz - 1)
        base1 = lane_i + (1 - par) + (bsz - 1)

        e0 = wid * ch

        def body(r, carry):
            g = (e0 + r * _LANES) >> 1
            i_vec = lane_i + g
            b_rel = ((i_vec - thr[0]) >> 31)
            for t in thr[1:]:
                b_rel = b_rel + ((i_vec - t) >> 31)
            b_rel = b_rel + g
            buf0[pl.ds(r * _LANES, _LANES)] = base0 + b_rel
            buf1[pl.ds(r * _LANES, _LANES)] = base1 + b_rel
            return carry

        lax.fori_loop(0, rows, body, 0, unroll=2)

        @pl.when(wid < nw - 1)
        def _():
            pltpu.sync_copy(buf0, c0_hbm.at[pl.ds(wid * ch, ch)])
            pltpu.sync_copy(buf1, c1_hbm.at[pl.ds(wid * ch, ch)])

        @pl.when(wid == nw - 1)
        def _():
            pltpu.sync_copy(buf0.at[pl.ds(0, last)],
                            c0_hbm.at[pl.ds((nw - 1) * ch, last)])
            pltpu.sync_copy(buf1.at[pl.ds(0, last)],
                            c1_hbm.at[pl.ds((nw - 1) * ch, last)])

    return k


@functools.lru_cache(maxsize=None)
def _make_merged_copy(total: int, d: int, nchunks: int = 16, nbuf: int = 4):
    assert total % nchunks == 0
    blk = total // nchunks

    def body(x_hbm, o_hbm, bufs, insems, outsems):
        def in_cp(i):
            return pltpu.make_async_copy(
                x_hbm.at[pl.ds(i * blk, blk)], bufs.at[i % nbuf],
                insems.at[i % nbuf])

        def out_cp(i):
            return pltpu.make_async_copy(
                bufs.at[i % nbuf], o_hbm.at[pl.ds(i * blk, blk)],
                outsems.at[i % nbuf])

        for j in range(min(nbuf, nchunks)):
            in_cp(j).start()
        for i in range(nchunks):
            in_cp(i).wait()
            out_cp(i).start()
            if i + nbuf < nchunks:
                out_cp(i).wait()
                in_cp(i + nbuf).start()
        for i in range(max(0, nchunks - nbuf), nchunks):
            out_cp(i).wait()

    return pl.pallas_call(
        body,
        in_specs=[pl.BlockSpec(memory_space=pltpu.HBM)],
        out_specs=pl.BlockSpec(memory_space=pltpu.HBM),
        scratch_shapes=[
            pltpu.VMEM((nbuf, blk, d), jnp.float32),
            pltpu.SemaphoreType.DMA((nbuf,)),
            pltpu.SemaphoreType.DMA((nbuf,)),
        ],
        out_shape=jax.ShapeDtypeStruct((total, d), jnp.float32),
    )


def kernel(flat, row_lengths):
    total = flat.shape[0]
    bsz = row_lengths.shape[0]
    col0, col1 = _make_edge_cols_kernel(total, bsz)(row_lengths)
    linkages = jnp.stack([col0, col1], axis=1)
    merged = _make_merged_copy(total, flat.shape[1], 8, 8)(flat)
    return merged, linkages

# --- scband reference (transcript-rebuilt; emitter-appended) ---
"""Pipeline reference for scband-dnato-graph-5995774345715 (READ-ONLY COPY).

The authoritative reference and input builder live on the scoring server;
editing this copy changes nothing except your own understanding.
"""

import jax, jax.numpy as jnp
import numpy as np

B = 16
TOTAL = 32768
D = 256


def setup_inputs(seed: int = 0) -> dict:
    key = jax.random.key(seed)
    # ragged input is represented as flat values + per-row lengths; the original
    # keras layer consumes tf.RaggedTensor.from_row_lengths(flat, row_lengths)
    flat = jax.random.normal(key, (TOTAL, D), dtype=jnp.float32)
    row_lengths = jnp.full((B,), TOTAL // B, dtype=jnp.int32)  # sums to TOTAL
    return {"flat": flat, "row_lengths": row_lengths}


def reference(flat, row_lengths):
    # inputs.merge_dims(0, 1).to_tensor() on a ragged [B, (r), C] is exactly the
    # flat values tensor [total_tokens, C]
    batch_size = row_lengths.shape[0]
    total = flat.shape[0]
    merged = flat

    # kmers = row_lengths; num_linkages = sum(kmers) - batch_size
    num_linkages = total - batch_size

    link = jnp.arange(num_linkages, dtype=jnp.int32)
    # repeat each linkage id 4x, reshape (-1,4), add [0,1,1,0]
    link = jnp.reshape(jnp.repeat(link, 4), (-1, 4)) + jnp.array([0, 1, 1, 0], dtype=jnp.int32)
    # per-linkage batch offset: batch b contributes (kmers_b - 1) linkages;
    # adding b converts linkage index -> flat token index
    offsets = jnp.repeat(jnp.arange(batch_size, dtype=jnp.int32), row_lengths - 1,
                         total_repeat_length=num_linkages)
    link = link + offsets[:, None]
    linkages = jnp.reshape(link, (-1, 2))  # bidirectional consecutive-token edges
    return merged, linkages

if __name__ == "__main__":
    import jax
    _d = setup_inputs()
    print(jax.jit(kernel)(*tuple(_d.values())))

</pallas_src>

<mosaic_0001>
#map = affine_map<(d0, d1) -> (0)>
module attributes {stable_mosaic.version = 14 : i64} {
  func.func @k(%arg0: i32, %arg1: i32, %arg2: memref<16xi32, #tpu.memory_space<hbm>>, %arg3: memref<65504xi32, #tpu.memory_space<hbm>>, %arg4: memref<65504xi32, #tpu.memory_space<hbm>>, %arg5: memref<16xi32, #tpu.memory_space<vmem>>, %arg6: memref<4096xi32, #tpu.memory_space<vmem>>, %arg7: memref<4096xi32, #tpu.memory_space<vmem>>) attributes {dimension_semantics = [#tpu.dimension_semantics<core_parallel>, #tpu.dimension_semantics<subcore_parallel>], iteration_bounds = array<i64: 1, 16>, scalar_prefetch = 0 : i64, scratch_operands = 3 : i64, tpu.core_type = #tpu.core_type<sc_vector_subcore>, window_params = [{transform_indices = #map}, {transform_indices = #map}, {transform_indices = #map}]} {
    "tpu.region"() ({
      %run_scoped3A = tpu.sem_alloc : memref<!tpu.dma_semaphore, #tpu.memory_space<semaphore_mem>>
      tpu.enqueue_dma source(%arg2 : memref<16xi32, #tpu.memory_space<hbm>>) target(%arg5 : memref<16xi32, #tpu.memory_space<vmem>>) target_semaphore(%run_scoped3A : memref<!tpu.dma_semaphore, #tpu.memory_space<semaphore_mem>>)
      tpu.wait_dma2 semaphore(%run_scoped3A : memref<!tpu.dma_semaphore, #tpu.memory_space<semaphore_mem>>) src(%arg2 : memref<16xi32, #tpu.memory_space<hbm>>) dst(%arg5 : memref<16xi32, #tpu.memory_space<vmem>>)
      tpu.yield
    }) : () -> ()
    %get3A = arith.constant 0 : index
    %get3A_0 = tpu.vector_load %arg5[%get3A] {strides = array<i32>} : memref<16xi32, #tpu.memory_space<vmem>>, vector<16xi32>,
    %get3A_1 = vector.shape_cast %get3A_0 : vector<16xi32> to vector<16xi32>
    %broadcast_in_dim3A = arith.constant 0 : i32
    %broadcast_in_dim3A_2 = vector.broadcast %broadcast_in_dim3A : i32 to vector<16xi32>
    %lt3A = arith.constant 0 : i32
    %lt3A_3 = vector.broadcast %lt3A : i32 to vector<16xi32>
    %lt3A_4 = arith.cmpi slt, %broadcast_in_dim3A_2, %lt3A_3 : vector<16xi32>
    %add3A = arith.constant 16 : i32
    %add3A_5 = vector.broadcast %add3A : i32 to vector<16xi32>
    %add3A_6 = arith.addi %broadcast_in_dim3A_2, %add3A_5 : vector<16xi32>
    %select_n3A = arith.select %lt3A_4, %add3A_6, %broadcast_in_dim3A_2 : vector<16xi1>, vector<16xi32>
    %broadcast_in_dim3A_7 = vector.shape_cast %select_n3A : vector<16xi32> to vector<16x1xi32>
    %gather3A = vector.shape_cast %broadcast_in_dim3A_7 : vector<16x1xi32> to vector<16xi32>
    %gather3A_8 = tpu.dynamic_gather %get3A_1[%gather3A] in [0] : vector<16xi32>, vector<16xi32> -> vector<16xi32>
    %sub3A = arith.constant 1 : i32
    %sub3A_9 = vector.broadcast %sub3A : i32 to vector<16xi32>
    %sub3A_10 = arith.subi %gather3A_8, %sub3A_9 : vector<16xi32>
    %broadcast_in_dim3A_11 = arith.constant 1 : i32
    %broadcast_in_dim3A_12 = vector.broadcast %broadcast_in_dim3A_11 : i32 to vector<16xi32>
    %lt3A_13 = arith.constant 0 : i32
    %lt3A_14 = vector.broadcast %lt3A_13 : i32 to vector<16xi32>
    %lt3A_15 = arith.cmpi slt, %broadcast_in_dim3A_12, %lt3A_14 : vector<16xi32>
    %add3A_16 = arith.constant 16 : i32
    %add3A_17 = vector.broadcast %add3A_16 : i32 to vector<16xi32>
    %add3A_18 = arith.addi %broadcast_in_dim3A_12, %add3A_17 : vector<16xi32>
    %select_n3A_19 = arith.select %lt3A_15, %add3A_18, %broadcast_in_dim3A_12 : vector<16xi1>, vector<16xi32>
    %broadcast_in_dim3A_20 = vector.shape_cast %select_n3A_19 : vector<16xi32> to vector<16x1xi32>
    %gather3A_21 = vector.shape_cast %broadcast_in_dim3A_20 : vector<16x1xi32> to vector<16xi32>
    %gather3A_22 = tpu.dynamic_gather %get3A_1[%gather3A_21] in [0] : vector<16xi32>, vector<16xi32> -> vector<16xi32>
    %sub3A_23 = arith.constant 1 : i32
    %sub3A_24 = vector.broadcast %sub3A_23 : i32 to vector<16xi32>
    %sub3A_25 = arith.subi %gather3A_22, %sub3A_24 : vector<16xi32>
    %add3A_26 = arith.addi %sub3A_10, %sub3A_25 : vector<16xi32>
    %broadcast_in_dim3A_27 = arith.constant 2 : i32
    %broadcast_in_dim3A_28 = vector.broadcast %broadcast_in_dim3A_27 : i32 to vector<16xi32>
    %lt3A_29 = arith.constant 0 : i32
    %lt3A_30 = vector.broadcast %lt3A_29 : i32 to vector<16xi32>
    %lt3A_31 = arith.cmpi slt, %broadcast_in_dim3A_28, %lt3A_30 : vector<16xi32>
    %add3A_32 = arith.constant 16 : i32
    %add3A_33 = vector.broadcast %add3A_32 : i32 to vector<16xi32>
    %add3A_34 = arith.addi %broadcast_in_dim3A_28, %add3A_33 : vector<16xi32>
    %select_n3A_35 = arith.select %lt3A_31, %add3A_34, %broadcast_in_dim3A_28 : vector<16xi1>, vector<16xi32>
    %broadcast_in_dim3A_36 = vector.shape_cast %select_n3A_35 : vector<16xi32> to vector<16x1xi32>
    %gather3A_37 = vector.shape_cast %broadcast_in_dim3A_36 : vector<16x1xi32> to vector<16xi32>
    %gather3A_38 = tpu.dynamic_gather %get3A_1[%gather3A_37] in [0] : vector<16xi32>, vector<16xi32> -> vector<16xi32>
    %sub3A_39 = arith.constant 1 : i32
    %sub3A_40 = vector.broadcast %sub3A_39 : i32 to vector<16xi32>
    %sub3A_41 = arith.subi %gather3A_38, %sub3A_40 : vector<16xi32>
    %add3A_42 = arith.addi %add3A_26, %sub3A_41 : vector<16xi32>
    %broadcast_in_dim3A_43 = arith.constant 3 : i32
    %broadcast_in_dim3A_44 = vector.broadcast %broadcast_in_dim3A_43 : i32 to vector<16xi32>
    %lt3A_45 = arith.constant 0 : i32
    %lt3A_46 = vector.broadcast %lt3A_45 : i32 to vector<16xi32>
    %lt3A_47 = arith.cmpi slt, %broadcast_in_dim3A_44, %lt3A_46 : vector<16xi32>
    %add3A_48 = arith.constant 16 : i32
    %add3A_49 = vector.broadcast %add3A_48 : i32 to vector<16xi32>
    %add3A_50 = arith.addi %broadcast_in_dim3A_44, %add3A_49 : vector<16xi32>
    %select_n3A_51 = arith.select %lt3A_47, %add3A_50, %broadcast_in_dim3A_44 : vector<16xi1>, vector<16xi32>
    %broadcast_in_dim3A_52 = vector.shape_cast %select_n3A_51 : vector<16xi32> to vector<16x1xi32>
    %gather3A_53 = vector.shape_cast %broadcast_in_dim3A_52 : vector<16x1xi32> to vector<16xi32>
    %gather3A_54 = tpu.dynamic_gather %get3A_1[%gather3A_53] in [0] : vector<16xi32>, vector<16xi32> -> vector<16xi32>
    %sub3A_55 = arith.constant 1 : i32
    %sub3A_56 = vector.broadcast %sub3A_55 : i32 to vector<16xi32>
    %sub3A_57 = arith.subi %gather3A_54, %sub3A_56 : vector<16xi32>
    %add3A_58 = arith.addi %add3A_42, %sub3A_57 : vector<16xi32>
    %broadcast_in_dim3A_59 = arith.constant 4 : i32
    %broadcast_in_dim3A_60 = vector.broadcast %broadcast_in_dim3A_59 : i32 to vector<16xi32>
    %lt3A_61 = arith.constant 0 : i32
    %lt3A_62 = vector.broadcast %lt3A_61 : i32 to vector<16xi32>
    %lt3A_63 = arith.cmpi slt, %broadcast_in_dim3A_60, %lt3A_62 : vector<16xi32>
    %add3A_64 = arith.constant 16 : i32
    %add3A_65 = vector.broadcast %add3A_64 : i32 to vector<16xi32>
    %add3A_66 = arith.addi %broadcast_in_dim3A_60, %add3A_65 : vector<16xi32>
    %select_n3A_67 = arith.select %lt3A_63, %add3A_66, %broadcast_in_dim3A_60 : vector<16xi1>, vector<16xi32>
    %broadcast_in_dim3A_68 = vector.shape_cast %select_n3A_67 : vector<16xi32> to vector<16x1xi32>
    %gather3A_69 = vector.shape_cast %broadcast_in_dim3A_68 : vector<16x1xi32> to vector<16xi32>
    %gather3A_70 = tpu.dynamic_gather %get3A_1[%gather3A_69] in [0] : vector<16xi32>, vector<16xi32> -> vector<16xi32>
    %sub3A_71 = arith.constant 1 : i32
    %sub3A_72 = vector.broadcast %sub3A_71 : i32 to vector<16xi32>
    %sub3A_73 = arith.subi %gather3A_70, %sub3A_72 : vector<16xi32>
    %add3A_74 = arith.addi %add3A_58, %sub3A_73 : vector<16xi32>
    %broadcast_in_dim3A_75 = arith.constant 5 : i32
    %broadcast_in_dim3A_76 = vector.broadcast %broadcast_in_dim3A_75 : i32 to vector<16xi32>
    %lt3A_77 = arith.constant 0 : i32
    %lt3A_78 = vector.broadcast %lt3A_77 : i32 to vector<16xi32>
    %lt3A_79 = arith.cmpi slt, %broadcast_in_dim3A_76, %lt3A_78 : vector<16xi32>
    %add3A_80 = arith.constant 16 : i32
    %add3A_81 = vector.broadcast %add3A_80 : i32 to vector<16xi32>
    %add3A_82 = arith.addi %broadcast_in_dim3A_76, %add3A_81 : vector<16xi32>
    %select_n3A_83 = arith.select %lt3A_79, %add3A_82, %broadcast_in_dim3A_76 : vector<16xi1>, vector<16xi32>
    %broadcast_in_dim3A_84 = vector.shape_cast %select_n3A_83 : vector<16xi32> to vector<16x1xi32>
    %gather3A_85 = vector.shape_cast %broadcast_in_dim3A_84 : vector<16x1xi32> to vector<16xi32>
    %gather3A_86 = tpu.dynamic_gather %get3A_1[%gather3A_85] in [0] : vector<16xi32>, vector<16xi32> -> vector<16xi32>
    %sub3A_87 = arith.constant 1 : i32
    %sub3A_88 = vector.broadcast %sub3A_87 : i32 to vector<16xi32>
    %sub3A_89 = arith.subi %gather3A_86, %sub3A_88 : vector<16xi32>
    %add3A_90 = arith.addi %add3A_74, %sub3A_89 : vector<16xi32>
    %broadcast_in_dim3A_91 = arith.constant 6 : i32
    %broadcast_in_dim3A_92 = vector.broadcast %broadcast_in_dim3A_91 : i32 to vector<16xi32>
    %lt3A_93 = arith.constant 0 : i32
    %lt3A_94 = vector.broadcast %lt3A_93 : i32 to vector<16xi32>
    %lt3A_95 = arith.cmpi slt, %broadcast_in_dim3A_92, %lt3A_94 : vector<16xi32>
    %add3A_96 = arith.constant 16 : i32
    %add3A_97 = vector.broadcast %add3A_96 : i32 to vector<16xi32>
    %add3A_98 = arith.addi %broadcast_in_dim3A_92, %add3A_97 : vector<16xi32>
    %select_n3A_99 = arith.select %lt3A_95, %add3A_98, %broadcast_in_dim3A_92 : vector<16xi1>, vector<16xi32>
    %broadcast_in_dim3A_100 = vector.shape_cast %select_n3A_99 : vector<16xi32> to vector<16x1xi32>
    %gather3A_101 = vector.shape_cast %broadcast_in_dim3A_100 : vector<16x1xi32> to vector<16xi32>
    %gather3A_102 = tpu.dynamic_gather %get3A_1[%gather3A_101] in [0] : vector<16xi32>, vector<16xi32> -> vector<16xi32>
    %sub3A_103 = arith.constant 1 : i32
    %sub3A_104 = vector.broadcast %sub3A_103 : i32 to vector<16xi32>
    %sub3A_105 = arith.subi %gather3A_102, %sub3A_104 : vector<16xi32>
    %add3A_106 = arith.addi %add3A_90, %sub3A_105 : vector<16xi32>
    %broadcast_in_dim3A_107 = arith.constant 7 : i32
    %broadcast_in_dim3A_108 = vector.broadcast %broadcast_in_dim3A_107 : i32 to vector<16xi32>
    %lt3A_109 = arith.constant 0 : i32
    %lt3A_110 = vector.broadcast %lt3A_109 : i32 to vector<16xi32>
    %lt3A_111 = arith.cmpi slt, %broadcast_in_dim3A_108, %lt3A_110 : vector<16xi32>
    %add3A_112 = arith.constant 16 : i32
    %add3A_113 = vector.broadcast %add3A_112 : i32 to vector<16xi32>
    %add3A_114 = arith.addi %broadcast_in_dim3A_108, %add3A_113 : vector<16xi32>
    %select_n3A_115 = arith.select %lt3A_111, %add3A_114, %broadcast_in_dim3A_108 : vector<16xi1>, vector<16xi32>
    %broadcast_in_dim3A_116 = vector.shape_cast %select_n3A_115 : vector<16xi32> to vector<16x1xi32>
    %gather3A_117 = vector.shape_cast %broadcast_in_dim3A_116 : vector<16x1xi32> to vector<16xi32>
    %gather3A_118 = tpu.dynamic_gather %get3A_1[%gather3A_117] in [0] : vector<16xi32>, vector<16xi32> -> vector<16xi32>
    %sub3A_119 = arith.constant 1 : i32
    %sub3A_120 = vector.broadcast %sub3A_119 : i32 to vector<16xi32>
    %sub3A_121 = arith.subi %gather3A_118, %sub3A_120 : vector<16xi32>
    %add3A_122 = arith.addi %add3A_106, %sub3A_121 : vector<16xi32>
    %broadcast_in_dim3A_123 = arith.constant 8 : i32
    %broadcast_in_dim3A_124 = vector.broadcast %broadcast_in_dim3A_123 : i32 to vector<16xi32>
    %lt3A_125 = arith.constant 0 : i32
    %lt3A_126 = vector.broadcast %lt3A_125 : i32 to vector<16xi32>
    %lt3A_127 = arith.cmpi slt, %broadcast_in_dim3A_124, %lt3A_126 : vector<16xi32>
    %add3A_128 = arith.constant 16 : i32
    %add3A_129 = vector.broadcast %add3A_128 : i32 to vector<16xi32>
    %add3A_130 = arith.addi %broadcast_in_dim3A_124, %add3A_129 : vector<16xi32>
    %select_n3A_131 = arith.select %lt3A_127, %add3A_130, %broadcast_in_dim3A_124 : vector<16xi1>, vector<16xi32>
    %broadcast_in_dim3A_132 = vector.shape_cast %select_n3A_131 : vector<16xi32> to vector<16x1xi32>
    %gather3A_133 = vector.shape_cast %broadcast_in_dim3A_132 : vector<16x1xi32> to vector<16xi32>
    %gather3A_134 = tpu.dynamic_gather %get3A_1[%gather3A_133] in [0] : vector<16xi32>, vector<16xi32> -> vector<16xi32>
    %sub3A_135 = arith.constant 1 : i32
    %sub3A_136 = vector.broadcast %sub3A_135 : i32 to vector<16xi32>
    %sub3A_137 = arith.subi %gather3A_134, %sub3A_136 : vector<16xi32>
    %add3A_138 = arith.addi %add3A_122, %sub3A_137 : vector<16xi32>
    %broadcast_in_dim3A_139 = arith.constant 9 : i32
    %broadcast_in_dim3A_140 = vector.broadcast %broadcast_in_dim3A_139 : i32 to vector<16xi32>
    %lt3A_141 = arith.constant 0 : i32
    %lt3A_142 = vector.broadcast %lt3A_141 : i32 to vector<16xi32>
    %lt3A_143 = arith.cmpi slt, %broadcast_in_dim3A_140, %lt3A_142 : vector<16xi32>
    %add3A_144 = arith.constant 16 : i32
    %add3A_145 = vector.broadcast %add3A_144 : i32 to vector<16xi32>
    %add3A_146 = arith.addi %broadcast_in_dim3A_140, %add3A_145 : vector<16xi32>
    %select_n3A_147 = arith.select %lt3A_143, %add3A_146, %broadcast_in_dim3A_140 : vector<16xi1>, vector<16xi32>
    %broadcast_in_dim3A_148 = vector.shape_cast %select_n3A_147 : vector<16xi32> to vector<16x1xi32>
    %gather3A_149 = vector.shape_cast %broadcast_in_dim3A_148 : vector<16x1xi32> to vector<16xi32>
    %gather3A_150 = tpu.dynamic_gather %get3A_1[%gather3A_149] in [0] : vector<16xi32>, vector<16xi32> -> vector<16xi32>
    %sub3A_151 = arith.constant 1 : i32
    %sub3A_152 = vector.broadcast %sub3A_151 : i32 to vector<16xi32>
    %sub3A_153 = arith.subi %gather3A_150, %sub3A_152 : vector<16xi32>
    %add3A_154 = arith.addi %add3A_138, %sub3A_153 : vector<16xi32>
    %broadcast_in_dim3A_155 = arith.constant 10 : i32
    %broadcast_in_dim3A_156 = vector.broadcast %broadcast_in_dim3A_155 : i32 to vector<16xi32>
    %lt3A_157 = arith.constant 0 : i32
    %lt3A_158 = vector.broadcast %lt3A_157 : i32 to vector<16xi32>
    %lt3A_159 = arith.cmpi slt, %broadcast_in_dim3A_156, %lt3A_158 : vector<16xi32>
    %add3A_160 = arith.constant 16 : i32
    %add3A_161 = vector.broadcast %add3A_160 : i32 to vector<16xi32>
    %add3A_162 = arith.addi %broadcast_in_dim3A_156, %add3A_161 : vector<16xi32>
    %select_n3A_163 = arith.select %lt3A_159, %add3A_162, %broadcast_in_dim3A_156 : vector<16xi1>, vector<16xi32>
    %broadcast_in_dim3A_164 = vector.shape_cast %select_n3A_163 : vector<16xi32> to vector<16x1xi32>
    %gather3A_165 = vector.shape_cast %broadcast_in_dim3A_164 : vector<16x1xi32> to vector<16xi32>
    %gather3A_166 = tpu.dynamic_gather %get3A_1[%gather3A_165] in [0] : vector<16xi32>, vector<16xi32> -> vector<16xi32>
    %sub3A_167 = arith.constant 1 : i32
    %sub3A_168 = vector.broadcast %sub3A_167 : i32 to vector<16xi32>
    %sub3A_169 = arith.subi %gather3A_166, %sub3A_168 : vector<16xi32>
    %add3A_170 = arith.addi %add3A_154, %sub3A_169 : vector<16xi32>
    %broadcast_in_dim3A_171 = arith.constant 11 : i32
    %broadcast_in_dim3A_172 = vector.broadcast %broadcast_in_dim3A_171 : i32 to vector<16xi32>
    %lt3A_173 = arith.constant 0 : i32
    %lt3A_174 = vector.broadcast %lt3A_173 : i32 to vector<16xi32>
    %lt3A_175 = arith.cmpi slt, %broadcast_in_dim3A_172, %lt3A_174 : vector<16xi32>
    %add3A_176 = arith.constant 16 : i32
    %add3A_177 = vector.broadcast %add3A_176 : i32 to vector<16xi32>
    %add3A_178 = arith.addi %broadcast_in_dim3A_172, %add3A_177 : vector<16xi32>
    %select_n3A_179 = arith.select %lt3A_175, %add3A_178, %broadcast_in_dim3A_172 : vector<16xi1>, vector<16xi32>
    %broadcast_in_dim3A_180 = vector.shape_cast %select_n3A_179 : vector<16xi32> to vector<16x1xi32>
    %gather3A_181 = vector.shape_cast %broadcast_in_dim3A_180 : vector<16x1xi32> to vector<16xi32>
    %gather3A_182 = tpu.dynamic_gather %get3A_1[%gather3A_181] in [0] : vector<16xi32>, vector<16xi32> -> vector<16xi32>
    %sub3A_183 = arith.constant 1 : i32
    %sub3A_184 = vector.broadcast %sub3A_183 : i32 to vector<16xi32>
    %sub3A_185 = arith.subi %gather3A_182, %sub3A_184 : vector<16xi32>
    %add3A_186 = arith.addi %add3A_170, %sub3A_185 : vector<16xi32>
    %broadcast_in_dim3A_187 = arith.constant 12 : i32
    %broadcast_in_dim3A_188 = vector.broadcast %broadcast_in_dim3A_187 : i32 to vector<16xi32>
    %lt3A_189 = arith.constant 0 : i32
    %lt3A_190 = vector.broadcast %lt3A_189 : i32 to vector<16xi32>
    %lt3A_191 = arith.cmpi slt, %broadcast_in_dim3A_188, %lt3A_190 : vector<16xi32>
    %add3A_192 = arith.constant 16 : i32
    %add3A_193 = vector.broadcast %add3A_192 : i32 to vector<16xi32>
    %add3A_194 = arith.addi %broadcast_in_dim3A_188, %add3A_193 : vector<16xi32>
    %select_n3A_195 = arith.select %lt3A_191, %add3A_194, %broadcast_in_dim3A_188 : vector<16xi1>, vector<16xi32>
    %broadcast_in_dim3A_196 = vector.shape_cast %select_n3A_195 : vector<16xi32> to vector<16x1xi32>
    %gather3A_197 = vector.shape_cast %broadcast_in_dim3A_196 : vector<16x1xi32> to vector<16xi32>
    %gather3A_198 = tpu.dynamic_gather %get3A_1[%gather3A_197] in [0] : vector<16xi32>, vector<16xi32> -> vector<16xi32>
    %sub3A_199 = arith.constant 1 : i32
    %sub3A_200 = vector.broadcast %sub3A_199 : i32 to vector<16xi32>
    %sub3A_201 = arith.subi %gather3A_198, %sub3A_200 : vector<16xi32>
    %add3A_202 = arith.addi %add3A_186, %sub3A_201 : vector<16xi32>
    %broadcast_in_dim3A_203 = arith.constant 13 : i32
    %broadcast_in_dim3A_204 = vector.broadcast %broadcast_in_dim3A_203 : i32 to vector<16xi32>
    %lt3A_205 = arith.constant 0 : i32
    %lt3A_206 = vector.broadcast %lt3A_205 : i32 to vector<16xi32>
    %lt3A_207 = arith.cmpi slt, %broadcast_in_dim3A_204, %lt3A_206 : vector<16xi32>
    %add3A_208 = arith.constant 16 : i32
    %add3A_209 = vector.broadcast %add3A_208 : i32 to vector<16xi32>
    %add3A_210 = arith.addi %broadcast_in_dim3A_204, %add3A_209 : vector<16xi32>
    %select_n3A_211 = arith.select %lt3A_207, %add3A_210, %broadcast_in_dim3A_204 : vector<16xi1>, vector<16xi32>
    %broadcast_in_dim3A_212 = vector.shape_cast %select_n3A_211 : vector<16xi32> to vector<16x1xi32>
    %gather3A_213 = vector.shape_cast %broadcast_in_dim3A_212 : vector<16x1xi32> to vector<16xi32>
    %gather3A_214 = tpu.dynamic_gather %get3A_1[%gather3A_213] in [0] : vector<16xi32>, vector<16xi32> -> vector<16xi32>
    %sub3A_215 = arith.constant 1 : i32
    %sub3A_216 = vector.broadcast %sub3A_215 : i32 to vector<16xi32>
    %sub3A_217 = arith.subi %gather3A_214, %sub3A_216 : vector<16xi32>
    %add3A_218 = arith.addi %add3A_202, %sub3A_217 : vector<16xi32>
    %broadcast_in_dim3A_219 = arith.constant 14 : i32
    %broadcast_in_dim3A_220 = vector.broadcast %broadcast_in_dim3A_219 : i32 to vector<16xi32>
    %lt3A_221 = arith.constant 0 : i32
    %lt3A_222 = vector.broadcast %lt3A_221 : i32 to vector<16xi32>
    %lt3A_223 = arith.cmpi slt, %broadcast_in_dim3A_220, %lt3A_222 : vector<16xi32>
    %add3A_224 = arith.constant 16 : i32
    %add3A_225 = vector.broadcast %add3A_224 : i32 to vector<16xi32>
    %add3A_226 = arith.addi %broadcast_in_dim3A_220, %add3A_225 : vector<16xi32>
    %select_n3A_227 = arith.select %lt3A_223, %add3A_226, %broadcast_in_dim3A_220 : vector<16xi1>, vector<16xi32>
    %broadcast_in_dim3A_228 = vector.shape_cast %select_n3A_227 : vector<16xi32> to vector<16x1xi32>
    %gather3A_229 = vector.shape_cast %broadcast_in_dim3A_228 : vector<16x1xi32> to vector<16xi32>
    %gather3A_230 = tpu.dynamic_gather %get3A_1[%gather3A_229] in [0] : vector<16xi32>, vector<16xi32> -> vector<16xi32>
    %sub3A_231 = arith.constant 1 : i32
    %sub3A_232 = vector.broadcast %sub3A_231 : i32 to vector<16xi32>
    %sub3A_233 = arith.subi %gather3A_230, %sub3A_232 : vector<16xi32>
    %add3A_234 = arith.addi %add3A_218, %sub3A_233 : vector<16xi32>
    %iota3A = tpu.iota {dimensions = array<i32: 0>} : vector<16xi32>
    %shift_right_arithmetic3A = arith.constant 1 : i32
    %shift_right_arithmetic3A_235 = vector.broadcast %shift_right_arithmetic3A : i32 to vector<16xi32>
    %shift_right_arithmetic3A_236 = arith.shrsi %iota3A, %shift_right_arithmetic3A_235 : vector<16xi32>
    %and3A = arith.constant 1 : i32
    %and3A_237 = vector.broadcast %and3A : i32 to vector<16xi32>
    %and3A_238 = arith.andi %iota3A, %and3A_237 : vector<16xi32>
    %add3A_239 = arith.addi %shift_right_arithmetic3A_236, %and3A_238 : vector<16xi32>
    %add3A_240 = arith.constant 15 : i32
    %add3A_241 = vector.broadcast %add3A_240 : i32 to vector<16xi32>
    %add3A_242 = arith.addi %add3A_239, %add3A_241 : vector<16xi32>
    %sub3A_243 = arith.constant 1 : i32
    %sub3A_244 = vector.broadcast %sub3A_243 : i32 to vector<16xi32>
    %sub3A_245 = arith.subi %sub3A_244, %and3A_238 : vector<16xi32>
    %add3A_246 = arith.addi %shift_right_arithmetic3A_236, %sub3A_245 : vector<16xi32>
    %add3A_247 = arith.constant 15 : i32
    %add3A_248 = vector.broadcast %add3A_247 : i32 to vector<16xi32>
    %add3A_249 = arith.addi %add3A_246, %add3A_248 : vector<16xi32>
    %mul3A = arith.constant 4096 : i32
    %mul3A_250 = arith.muli %arg1, %mul3A : i32
    %scan3A = arith.constant 0 : i32
    %scan3A_251 = arith.constant 0 : i32
    %scan3A_252 = arith.constant 256 : i32
    %scan3A_253 = arith.addi %scan3A_251, %scan3A_252 : i32
    %scan3A_254 = arith.constant 2 : i32
    scf.for %scan3A_263 = %scan3A_251 to %scan3A_253 step %scan3A_254  : i32 {
      %mul3A_264 = arith.constant 16 : i32
      %mul3A_265 = arith.muli %scan3A_263, %mul3A_264 : i32
      %add3A_266 = arith.addi %mul3A_250, %mul3A_265 : i32
      %shift_right_arithmetic3A_267 = arith.constant 1 : i32
      %shift_right_arithmetic3A_268 = arith.shrsi %add3A_266, %shift_right_arithmetic3A_267 : i32
      %add3A_269 = vector.broadcast %shift_right_arithmetic3A_268 : i32 to vector<16xi32>
      %add3A_270 = arith.addi %shift_right_arithmetic3A_236, %add3A_269 : vector<16xi32>
      %sub3A_271 = arith.subi %add3A_270, %sub3A_10 : vector<16xi32>
      %shift_right_arithmetic3A_272 = arith.constant 31 : i32
      %shift_right_arithmetic3A_273 = vector.broadcast %shift_right_arithmetic3A_272 : i32 to vector<16xi32>
      %shift_right_arithmetic3A_274 = arith.shrsi %sub3A_271, %shift_right_arithmetic3A_273 : vector<16xi32>
      %sub3A_275 = arith.subi %add3A_270, %add3A_26 : vector<16xi32>
      %shift_right_arithmetic3A_276 = arith.constant 31 : i32
      %shift_right_arithmetic3A_277 = vector.broadcast %shift_right_arithmetic3A_276 : i32 to vector<16xi32>
      %shift_right_arithmetic3A_278 = arith.shrsi %sub3A_275, %shift_right_arithmetic3A_277 : vector<16xi32>
      %add3A_279 = arith.addi %shift_right_arithmetic3A_274, %shift_right_arithmetic3A_278 : vector<16xi32>
      %sub3A_280 = arith.subi %add3A_270, %add3A_42 : vector<16xi32>
      %shift_right_arithmetic3A_281 = arith.constant 31 : i32
      %shift_right_arithmetic3A_282 = vector.broadcast %shift_right_arithmetic3A_281 : i32 to vector<16xi32>
      %shift_right_arithmetic3A_283 = arith.shrsi %sub3A_280, %shift_right_arithmetic3A_282 : vector<16xi32>
      %add3A_284 = arith.addi %add3A_279, %shift_right_arithmetic3A_283 : vector<16xi32>
      %sub3A_285 = arith.subi %add3A_270, %add3A_58 : vector<16xi32>
      %shift_right_arithmetic3A_286 = arith.constant 31 : i32
      %shift_right_arithmetic3A_287 = vector.broadcast %shift_right_arithmetic3A_286 : i32 to vector<16xi32>
      %shift_right_arithmetic3A_288 = arith.shrsi %sub3A_285, %shift_right_arithmetic3A_287 : vector<16xi32>
      %add3A_289 = arith.addi %add3A_284, %shift_right_arithmetic3A_288 : vector<16xi32>
      %sub3A_290 = arith.subi %add3A_270, %add3A_74 : vector<16xi32>
      %shift_right_arithmetic3A_291 = arith.constant 31 : i32
      %shift_right_arithmetic3A_292 = vector.broadcast %shift_right_arithmetic3A_291 : i32 to vector<16xi32>
      %shift_right_arithmetic3A_293 = arith.shrsi %sub3A_290, %shift_right_arithmetic3A_292 : vector<16xi32>
      %add3A_294 = arith.addi %add3A_289, %shift_right_arithmetic3A_293 : vector<16xi32>
      %sub3A_295 = arith.subi %add3A_270, %add3A_90 : vector<16xi32>
      %shift_right_arithmetic3A_296 = arith.constant 31 : i32
      %shift_right_arithmetic3A_297 = vector.broadcast %shift_right_arithmetic3A_296 : i32 to vector<16xi32>
      %shift_right_arithmetic3A_298 = arith.shrsi %sub3A_295, %shift_right_arithmetic3A_297 : vector<16xi32>
      %add3A_299 = arith.addi %add3A_294, %shift_right_arithmetic3A_298 : vector<16xi32>
      %sub3A_300 = arith.subi %add3A_270, %add3A_106 : vector<16xi32>
      %shift_right_arithmetic3A_301 = arith.constant 31 : i32
      %shift_right_arithmetic3A_302 = vector.broadcast %shift_right_arithmetic3A_301 : i32 to vector<16xi32>
      %shift_right_arithmetic3A_303 = arith.shrsi %sub3A_300, %shift_right_arithmetic3A_302 : vector<16xi32>
      %add3A_304 = arith.addi %add3A_299, %shift_right_arithmetic3A_303 : vector<16xi32>
      %sub3A_305 = arith.subi %add3A_270, %add3A_122 : vector<16xi32>
      %shift_right_arithmetic3A_306 = arith.constant 31 : i32
      %shift_right_arithmetic3A_307 = vector.broadcast %shift_right_arithmetic3A_306 : i32 to vector<16xi32>
      %shift_right_arithmetic3A_308 = arith.shrsi %sub3A_305, %shift_right_arithmetic3A_307 : vector<16xi32>
      %add3A_309 = arith.addi %add3A_304, %shift_right_arithmetic3A_308 : vector<16xi32>
      %sub3A_310 = arith.subi %add3A_270, %add3A_138 : vector<16xi32>
      %shift_right_arithmetic3A_311 = arith.constant 31 : i32
      %shift_right_arithmetic3A_312 = vector.broadcast %shift_right_arithmetic3A_311 : i32 to vector<16xi32>
      %shift_right_arithmetic3A_313 = arith.shrsi %sub3A_310, %shift_right_arithmetic3A_312 : vector<16xi32>
      %add3A_314 = arith.addi %add3A_309, %shift_right_arithmetic3A_313 : vector<16xi32>
      %sub3A_315 = arith.subi %add3A_270, %add3A_154 : vector<16xi32>
      %shift_right_arithmetic3A_316 = arith.constant 31 : i32
      %shift_right_arithmetic3A_317 = vector.broadcast %shift_right_arithmetic3A_316 : i32 to vector<16xi32>
      %shift_right_arithmetic3A_318 = arith.shrsi %sub3A_315, %shift_right_arithmetic3A_317 : vector<16xi32>
      %add3A_319 = arith.addi %add3A_314, %shift_right_arithmetic3A_318 : vector<16xi32>
      %sub3A_320 = arith.subi %add3A_270, %add3A_170 : vector<16xi32>
      %shift_right_arithmetic3A_321 = arith.constant 31 : i32
      %shift_right_arithmetic3A_322 = vector.broadcast %shift_right_arithmetic3A_321 : i32 to vector<16xi32>
      %shift_right_arithmetic3A_323 = arith.shrsi %sub3A_320, %shift_right_arithmetic3A_322 : vector<16xi32>
      %add3A_324 = arith.addi %add3A_319, %shift_right_arithmetic3A_323 : vector<16xi32>
      %sub3A_325 = arith.subi %add3A_270, %add3A_186 : vector<16xi32>
      %shift_right_arithmetic3A_326 = arith.constant 31 : i32
      %shift_right_arithmetic3A_327 = vector.broadcast %shift_right_arithmetic3A_326 : i32 to vector<16xi32>
      %shift_right_arithmetic3A_328 = arith.shrsi %sub3A_325, %shift_right_arithmetic3A_327 : vector<16xi32>
      %add3A_329 = arith.addi %add3A_324, %shift_right_arithmetic3A_328 : vector<16xi32>
      %sub3A_330 = arith.subi %add3A_270, %add3A_202 : vector<16xi32>
      %shift_right_arithmetic3A_331 = arith.constant 31 : i32
      %shift_right_arithmetic3A_332 = vector.broadcast %shift_right_arithmetic3A_331 : i32 to vector<16xi32>
      %shift_right_arithmetic3A_333 = arith.shrsi %sub3A_330, %shift_right_arithmetic3A_332 : vector<16xi32>
      %add3A_334 = arith.addi %add3A_329, %shift_right_arithmetic3A_333 : vector<16xi32>
      %sub3A_335 = arith.subi %add3A_270, %add3A_218 : vector<16xi32>
      %shift_right_arithmetic3A_336 = arith.constant 31 : i32
      %shift_right_arithmetic3A_337 = vector.broadcast %shift_right_arithmetic3A_336 : i32 to vector<16xi32>
      %shift_right_arithmetic3A_338 = arith.shrsi %sub3A_335, %shift_right_arithmetic3A_337 : vector<16xi32>
      %add3A_339 = arith.addi %add3A_334, %shift_right_arithmetic3A_338 : vector<16xi32>
      %sub3A_340 = arith.subi %add3A_270, %add3A_234 : vector<16xi32>
      %shift_right_arithmetic3A_341 = arith.constant 31 : i32
      %shift_right_arithmetic3A_342 = vector.broadcast %shift_right_arithmetic3A_341 : i32 to vector<16xi32>
      %shift_right_arithmetic3A_343 = arith.shrsi %sub3A_340, %shift_right_arithmetic3A_342 : vector<16xi32>
      %add3A_344 = arith.addi %add3A_339, %shift_right_arithmetic3A_343 : vector<16xi32>
      %add3A_345 = vector.broadcast %shift_right_arithmetic3A_268 : i32 to vector<16xi32>
      %add3A_346 = arith.addi %add3A_344, %add3A_345 : vector<16xi32>
      %add3A_347 = arith.addi %add3A_242, %add3A_346 : vector<16xi32>
      %mul3A_348 = arith.constant 16 : i32
      %mul3A_349 = arith.muli %scan3A_263, %mul3A_348 : i32
      %swap3A = arith.index_cast %mul3A_349 : i32 to index
      %swap3A_350 = tpu.vector_load %arg6[%swap3A] {strides = array<i32>} : memref<4096xi32, #tpu.memory_space<vmem>>, vector<16xi32>,
      %swap3A_351 = vector.shape_cast %swap3A_350 : vector<16xi32> to vector<16xi32>
      %swap3A_352 = vector.shape_cast %add3A_347 : vector<16xi32> to vector<16xi32>
      tpu.vector_store %arg6[%swap3A], %swap3A_352 {strides = array<i32>} : memref<4096xi32, #tpu.memory_space<vmem>>, vector<16xi32>,
      %add3A_353 = arith.addi %add3A_249, %add3A_346 : vector<16xi32>
      %mul3A_354 = arith.constant 16 : i32
      %mul3A_355 = arith.muli %scan3A_263, %mul3A_354 : i32
      %swap3A_356 = arith.index_cast %mul3A_355 : i32 to index
      %swap3A_357 = tpu.vector_load %arg7[%swap3A_356] {strides = array<i32>} : memref<4096xi32, #tpu.memory_space<vmem>>, vector<16xi32>,
      %swap3A_358 = vector.shape_cast %swap3A_357 : vector<16xi32> to vector<16xi32>
      %swap3A_359 = vector.shape_cast %add3A_353 : vector<16xi32> to vector<16xi32>
      tpu.vector_store %arg7[%swap3A_356], %swap3A_359 {strides = array<i32>} : memref<4096xi32, #tpu.memory_space<vmem>>, vector<16xi32>,
      %scan3A_360 = arith.constant 1 : i32
      %scan3A_361 = arith.addi %scan3A_263, %scan3A_360 : i32
      %mul3A_362 = arith.constant 16 : i32
      %mul3A_363 = arith.muli %scan3A_361, %mul3A_362 : i32
      %add3A_364 = arith.addi %mul3A_250, %mul3A_363 : i32
      %shift_right_arithmetic3A_365 = arith.constant 1 : i32
      %shift_right_arithmetic3A_366 = arith.shrsi %add3A_364, %shift_right_arithmetic3A_365 : i32
      %add3A_367 = vector.broadcast %shift_right_arithmetic3A_366 : i32 to vector<16xi32>
      %add3A_368 = arith.addi %shift_right_arithmetic3A_236, %add3A_367 : vector<16xi32>
      %sub3A_369 = arith.subi %add3A_368, %sub3A_10 : vector<16xi32>
      %shift_right_arithmetic3A_370 = arith.constant 31 : i32
      %shift_right_arithmetic3A_371 = vector.broadcast %shift_right_arithmetic3A_370 : i32 to vector<16xi32>
      %shift_right_arithmetic3A_372 = arith.shrsi %sub3A_369, %shift_right_arithmetic3A_371 : vector<16xi32>
      %sub3A_373 = arith.subi %add3A_368, %add3A_26 : vector<16xi32>
      %shift_right_arithmetic3A_374 = arith.constant 31 : i32
      %shift_right_arithmetic3A_375 = vector.broadcast %shift_right_arithmetic3A_374 : i32 to vector<16xi32>
      %shift_right_arithmetic3A_376 = arith.shrsi %sub3A_373, %shift_right_arithmetic3A_375 : vector<16xi32>
      %add3A_377 = arith.addi %shift_right_arithmetic3A_372, %shift_right_arithmetic3A_376 : vector<16xi32>
      %sub3A_378 = arith.subi %add3A_368, %add3A_42 : vector<16xi32>
      %shift_right_arithmetic3A_379 = arith.constant 31 : i32
      %shift_right_arithmetic3A_380 = vector.broadcast %shift_right_arithmetic3A_379 : i32 to vector<16xi32>
      %shift_right_arithmetic3A_381 = arith.shrsi %sub3A_378, %shift_right_arithmetic3A_380 : vector<16xi32>
      %add3A_382 = arith.addi %add3A_377, %shift_right_arithmetic3A_381 : vector<16xi32>
      %sub3A_383 = arith.subi %add3A_368, %add3A_58 : vector<16xi32>
      %shift_right_arithmetic3A_384 = arith.constant 31 : i32
      %shift_right_arithmetic3A_385 = vector.broadcast %shift_right_arithmetic3A_384 : i32 to vector<16xi32>
      %shift_right_arithmetic3A_386 = arith.shrsi %sub3A_383, %shift_right_arithmetic3A_385 : vector<16xi32>
      %add3A_387 = arith.addi %add3A_382, %shift_right_arithmetic3A_386 : vector<16xi32>
      %sub3A_388 = arith.subi %add3A_368, %add3A_74 : vector<16xi32>
      %shift_right_arithmetic3A_389 = arith.constant 31 : i32
      %shift_right_arithmetic3A_390 = vector.broadcast %shift_right_arithmetic3A_389 : i32 to vector<16xi32>
      %shift_right_arithmetic3A_391 = arith.shrsi %sub3A_388, %shift_right_arithmetic3A_390 : vector<16xi32>
      %add3A_392 = arith.addi %add3A_387, %shift_right_arithmetic3A_391 : vector<16xi32>
      %sub3A_393 = arith.subi %add3A_368, %add3A_90 : vector<16xi32>
      %shift_right_arithmetic3A_394 = arith.constant 31 : i32
      %shift_right_arithmetic3A_395 = vector.broadcast %shift_right_arithmetic3A_394 : i32 to vector<16xi32>
      %shift_right_arithmetic3A_396 = arith.shrsi %sub3A_393, %shift_right_arithmetic3A_395 : vector<16xi32>
      %add3A_397 = arith.addi %add3A_392, %shift_right_arithmetic3A_396 : vector<16xi32>
      %sub3A_398 = arith.subi %add3A_368, %add3A_106 : vector<16xi32>
      %shift_right_arithmetic3A_399 = arith.constant 31 : i32
      %shift_right_arithmetic3A_400 = vector.broadcast %shift_right_arithmetic3A_399 : i32 to vector<16xi32>
      %shift_right_arithmetic3A_401 = arith.shrsi %sub3A_398, %shift_right_arithmetic3A_400 : vector<16xi32>
      %add3A_402 = arith.addi %add3A_397, %shift_right_arithmetic3A_401 : vector<16xi32>
      %sub3A_403 = arith.subi %add3A_368, %add3A_122 : vector<16xi32>
      %shift_right_arithmetic3A_404 = arith.constant 31 : i32
      %shift_right_arithmetic3A_405 = vector.broadcast %shift_right_arithmetic3A_404 : i32 to vector<16xi32>
      %shift_right_arithmetic3A_406 = arith.shrsi %sub3A_403, %shift_right_arithmetic3A_405 : vector<16xi32>
      %add3A_407 = arith.addi %add3A_402, %shift_right_arithmetic3A_406 : vector<16xi32>
      %sub3A_408 = arith.subi %add3A_368, %add3A_138 : vector<16xi32>
      %shift_right_arithmetic3A_409 = arith.constant 31 : i32
      %shift_right_arithmetic3A_410 = vector.broadcast %shift_right_arithmetic3A_409 : i32 to vector<16xi32>
      %shift_right_arithmetic3A_411 = arith.shrsi %sub3A_408, %shift_right_arithmetic3A_410 : vector<16xi32>
      %add3A_412 = arith.addi %add3A_407, %shift_right_arithmetic3A_411 : vector<16xi32>
      %sub3A_413 = arith.subi %add3A_368, %add3A_154 : vector<16xi32>
      %shift_right_arithmetic3A_414 = arith.constant 31 : i32
      %shift_right_arithmetic3A_415 = vector.broadcast %shift_right_arithmetic3A_414 : i32 to vector<16xi32>
      %shift_right_arithmetic3A_416 = arith.shrsi %sub3A_413, %shift_right_arithmetic3A_415 : vector<16xi32>
      %add3A_417 = arith.addi %add3A_412, %shift_right_arithmetic3A_416 : vector<16xi32>
      %sub3A_418 = arith.subi %add3A_368, %add3A_170 : vector<16xi32>
      %shift_right_arithmetic3A_419 = arith.constant 31 : i32
      %shift_right_arithmetic3A_420 = vector.broadcast %shift_right_arithmetic3A_419 : i32 to vector<16xi32>
      %shift_right_arithmetic3A_421 = arith.shrsi %sub3A_418, %shift_right_arithmetic3A_420 : vector<16xi32>
      %add3A_422 = arith.addi %add3A_417, %shift_right_arithmetic3A_421 : vector<16xi32>
      %sub3A_423 = arith.subi %add3A_368, %add3A_186 : vector<16xi32>
      %shift_right_arithmetic3A_424 = arith.constant 31 : i32
      %shift_right_arithmetic3A_425 = vector.broadcast %shift_right_arithmetic3A_424 : i32 to vector<16xi32>
      %shift_right_arithmetic3A_426 = arith.shrsi %sub3A_423, %shift_right_arithmetic3A_425 : vector<16xi32>
      %add3A_427 = arith.addi %add3A_422, %shift_right_arithmetic3A_426 : vector<16xi32>
      %sub3A_428 = arith.subi %add3A_368, %add3A_202 : vector<16xi32>
      %shift_right_arithmetic3A_429 = arith.constant 31 : i32
      %shift_right_arithmetic3A_430 = vector.broadcast %shift_right_arithmetic3A_429 : i32 to vector<16xi32>
      %shift_right_arithmetic3A_431 = arith.shrsi %sub3A_428, %shift_right_arithmetic3A_430 : vector<16xi32>
      %add3A_432 = arith.addi %add3A_427, %shift_right_arithmetic3A_431 : vector<16xi32>
      %sub3A_433 = arith.subi %add3A_368, %add3A_218 : vector<16xi32>
      %shift_right_arithmetic3A_434 = arith.constant 31 : i32
      %shift_right_arithmetic3A_435 = vector.broadcast %shift_right_arithmetic3A_434 : i32 to vector<16xi32>
      %shift_right_arithmetic3A_436 = arith.shrsi %sub3A_433, %shift_right_arithmetic3A_435 : vector<16xi32>
      %add3A_437 = arith.addi %add3A_432, %shift_right_arithmetic3A_436 : vector<16xi32>
      %sub3A_438 = arith.subi %add3A_368, %add3A_234 : vector<16xi32>
      %shift_right_arithmetic3A_439 = arith.constant 31 : i32
      %shift_right_arithmetic3A_440 = vector.broadcast %shift_right_arithmetic3A_439 : i32 to vector<16xi32>
      %shift_right_arithmetic3A_441 = arith.shrsi %sub3A_438, %shift_right_arithmetic3A_440 : vector<16xi32>
      %add3A_442 = arith.addi %add3A_437, %shift_right_arithmetic3A_441 : vector<16xi32>
      %add3A_443 = vector.broadcast %shift_right_arithmetic3A_366 : i32 to vector<16xi32>
      %add3A_444 = arith.addi %add3A_442, %add3A_443 : vector<16xi32>
      %add3A_445 = arith.addi %add3A_242, %add3A_444 : vector<16xi32>
      %mul3A_446 = arith.constant 16 : i32
      %mul3A_447 = arith.muli %scan3A_361, %mul3A_446 : i32
      %swap3A_448 = arith.index_cast %mul3A_447 : i32 to index
      %swap3A_449 = tpu.vector_load %arg6[%swap3A_448] {strides = array<i32>} : memref<4096xi32, #tpu.memory_space<vmem>>, vector<16xi32>,
      %swap3A_450 = vector.shape_cast %swap3A_449 : vector<16xi32> to vector<16xi32>
      %swap3A_451 = vector.shape_cast %add3A_445 : vector<16xi32> to vector<16xi32>
      tpu.vector_store %arg6[%swap3A_448], %swap3A_451 {strides = array<i32>} : memref<4096xi32, #tpu.memory_space<vmem>>, vector<16xi32>,
      %add3A_452 = arith.addi %add3A_249, %add3A_444 : vector<16xi32>
      %mul3A_453 = arith.constant 16 : i32
      %mul3A_454 = arith.muli %scan3A_361, %mul3A_453 : i32
      %swap3A_455 = arith.index_cast %mul3A_454 : i32 to index
      %swap3A_456 = tpu.vector_load %arg7[%swap3A_455] {strides = array<i32>} : memref<4096xi32, #tpu.memory_space<vmem>>, vector<16xi32>,
      %swap3A_457 = vector.shape_cast %swap3A_456 : vector<16xi32> to vector<16xi32>
      %swap3A_458 = vector.shape_cast %add3A_452 : vector<16xi32> to vector<16xi32>
      tpu.vector_store %arg7[%swap3A_455], %swap3A_458 {strides = array<i32>} : memref<4096xi32, #tpu.memory_space<vmem>>, vector<16xi32>,
    }
    %scan3A_255 = arith.constant 256 : i32
    %lt3A_256 = arith.constant 15 : i32
    %lt3A_257 = arith.cmpi slt, %arg1, %lt3A_256 : i32
    %convert_element_type3A = arith.extui %lt3A_257 : i1 to i32
    %cond3A = arith.constant 0 : i32
    %cond3A_258 = arith.cmpi ne, %convert_element_type3A, %cond3A : i32
    scf.if %cond3A_258 {
      %mul3A_263 = arith.constant 4096 : i32
      %mul3A_264 = arith.muli %arg1, %mul3A_263 : i32
      "tpu.region"() ({
        %run_scoped3A = tpu.sem_alloc : memref<!tpu.dma_semaphore, #tpu.memory_space<semaphore_mem>>
        %dma_start3A = tpu.memref_slice %arg3[%mul3A_264] : memref<65504xi32, #tpu.memory_space<hbm>> -> memref<4096xi32, #tpu.memory_space<hbm>>
        %dma_start3A_267 = tpu.memref_slice %arg3[%mul3A_264] : memref<65504xi32, #tpu.memory_space<hbm>> -> memref<4096xi32, #tpu.memory_space<hbm>>
        tpu.enqueue_dma source(%arg6 : memref<4096xi32, #tpu.memory_space<vmem>>) target(%dma_start3A_267 : memref<4096xi32, #tpu.memory_space<hbm>>) target_semaphore(%run_scoped3A : memref<!tpu.dma_semaphore, #tpu.memory_space<semaphore_mem>>)
        %dma_wait3A = tpu.memref_slice %arg3[%mul3A_264] : memref<65504xi32, #tpu.memory_space<hbm>> -> memref<4096xi32, #tpu.memory_space<hbm>>
        %dma_wait3A_268 = tpu.memref_slice %arg3[%mul3A_264] : memref<65504xi32, #tpu.memory_space<hbm>> -> memref<4096xi32, #tpu.memory_space<hbm>>
        tpu.wait_dma2 semaphore(%run_scoped3A : memref<!tpu.dma_semaphore, #tpu.memory_space<semaphore_mem>>) src(%arg6 : memref<4096xi32, #tpu.memory_space<vmem>>) dst(%dma_wait3A_268 : memref<4096xi32, #tpu.memory_space<hbm>>)
        tpu.yield
      }) : () -> ()
      %mul3A_265 = arith.constant 4096 : i32
      %mul3A_266 = arith.muli %arg1, %mul3A_265 : i32
      "tpu.region"() ({
        %run_scoped3A = tpu.sem_alloc : memref<!tpu.dma_semaphore, #tpu.memory_space<semaphore_mem>>
        %dma_start3A = tpu.memref_slice %arg4[%mul3A_266] : memref<65504xi32, #tpu.memory_space<hbm>> -> memref<4096xi32, #tpu.memory_space<hbm>>
        %dma_start3A_267 = tpu.memref_slice %arg4[%mul3A_266] : memref<65504xi32, #tpu.memory_space<hbm>> -> memref<4096xi32, #tpu.memory_space<hbm>>
        tpu.enqueue_dma source(%arg7 : memref<4096xi32, #tpu.memory_space<vmem>>) target(%dma_start3A_267 : memref<4096xi32, #tpu.memory_space<hbm>>) target_semaphore(%run_scoped3A : memref<!tpu.dma_semaphore, #tpu.memory_space<semaphore_mem>>)
        %dma_wait3A = tpu.memref_slice %arg4[%mul3A_266] : memref<65504xi32, #tpu.memory_space<hbm>> -> memref<4096xi32, #tpu.memory_space<hbm>>
        %dma_wait3A_268 = tpu.memref_slice %arg4[%mul3A_266] : memref<65504xi32, #tpu.memory_space<hbm>> -> memref<4096xi32, #tpu.memory_space<hbm>>
        tpu.wait_dma2 semaphore(%run_scoped3A : memref<!tpu.dma_semaphore, #tpu.memory_space<semaphore_mem>>) src(%arg7 : memref<4096xi32, #tpu.memory_space<vmem>>) dst(%dma_wait3A_268 : memref<4096xi32, #tpu.memory_space<hbm>>)
        tpu.yield
      }) : () -> ()
    } else {
    }
    %eq3A = arith.constant 15 : i32
    %eq3A_259 = arith.cmpi eq, %arg1, %eq3A : i32
    %convert_element_type3A_260 = arith.extui %eq3A_259 : i1 to i32
    %cond3A_261 = arith.constant 0 : i32
    %cond3A_262 = arith.cmpi ne, %convert_element_type3A_260, %cond3A_261 : i32
    scf.if %cond3A_262 {
      "tpu.region"() ({
        %run_scoped3A = tpu.sem_alloc : memref<!tpu.dma_semaphore, #tpu.memory_space<semaphore_mem>>
        %dma_start3A = arith.constant 0 : i32
        %dma_start3A_263 = tpu.memref_slice %arg6[%dma_start3A] : memref<4096xi32, #tpu.memory_space<vmem>> -> memref<4064xi32, #tpu.memory_space<vmem>>
        %dma_start3A_264 = arith.constant 61440 : i32
        %dma_start3A_265 = tpu.memref_slice %arg3[%dma_start3A_264] : memref<65504xi32, #tpu.memory_space<hbm>> -> memref<4064xi32, #tpu.memory_space<hbm>>
        %dma_start3A_266 = arith.constant 61440 : i32
        %dma_start3A_267 = tpu.memref_slice %arg3[%dma_start3A_266] : memref<65504xi32, #tpu.memory_space<hbm>> -> memref<4064xi32, #tpu.memory_space<hbm>>
        %dma_start3A_268 = arith.constant 0 : i32
        %dma_start3A_269 = tpu.memref_slice %arg6[%dma_start3A_268] : memref<4096xi32, #tpu.memory_space<vmem>> -> memref<4064xi32, #tpu.memory_space<vmem>>
        tpu.enqueue_dma source(%dma_start3A_269 : memref<4064xi32, #tpu.memory_space<vmem>>) target(%dma_start3A_267 : memref<4064xi32, #tpu.memory_space<hbm>>) target_semaphore(%run_scoped3A : memref<!tpu.dma_semaphore, #tpu.memory_space<semaphore_mem>>)
        %dma_wait3A = arith.constant 0 : i32
        %dma_wait3A_270 = tpu.memref_slice %arg6[%dma_wait3A] : memref<4096xi32, #tpu.memory_space<vmem>> -> memref<4064xi32, #tpu.memory_space<vmem>>
        %dma_wait3A_271 = arith.constant 61440 : i32
        %dma_wait3A_272 = tpu.memref_slice %arg3[%dma_wait3A_271] : memref<65504xi32, #tpu.memory_space<hbm>> -> memref<4064xi32, #tpu.memory_space<hbm>>
        %dma_wait3A_273 = arith.constant 61440 : i32
        %dma_wait3A_274 = tpu.memref_slice %arg3[%dma_wait3A_273] : memref<65504xi32, #tpu.memory_space<hbm>> -> memref<4064xi32, #tpu.memory_space<hbm>>
        %dma_wait3A_275 = arith.constant 0 : i32
        %dma_wait3A_276 = tpu.memref_slice %arg6[%dma_wait3A_275] : memref<4096xi32, #tpu.memory_space<vmem>> -> memref<4064xi32, #tpu.memory_space<vmem>>
        tpu.wait_dma2 semaphore(%run_scoped3A : memref<!tpu.dma_semaphore, #tpu.memory_space<semaphore_mem>>) src(%dma_wait3A_276 : memref<4064xi32, #tpu.memory_space<vmem>>) dst(%dma_wait3A_274 : memref<4064xi32, #tpu.memory_space<hbm>>)
        tpu.yield
      }) : () -> ()
      "tpu.region"() ({
        %run_scoped3A = tpu.sem_alloc : memref<!tpu.dma_semaphore, #tpu.memory_space<semaphore_mem>>
        %dma_start3A = arith.constant 0 : i32
        %dma_start3A_263 = tpu.memref_slice %arg7[%dma_start3A] : memref<4096xi32, #tpu.memory_space<vmem>> -> memref<4064xi32, #tpu.memory_space<vmem>>
        %dma_start3A_264 = arith.constant 61440 : i32
        %dma_start3A_265 = tpu.memref_slice %arg4[%dma_start3A_264] : memref<65504xi32, #tpu.memory_space<hbm>> -> memref<4064xi32, #tpu.memory_space<hbm>>
        %dma_start3A_266 = arith.constant 61440 : i32
        %dma_start3A_267 = tpu.memref_slice %arg4[%dma_start3A_266] : memref<65504xi32, #tpu.memory_space<hbm>> -> memref<4064xi32, #tpu.memory_space<hbm>>
        %dma_start3A_268 = arith.constant 0 : i32
        %dma_start3A_269 = tpu.memref_slice %arg7[%dma_start3A_268] : memref<4096xi32, #tpu.memory_space<vmem>> -> memref<4064xi32, #tpu.memory_space<vmem>>
        tpu.enqueue_dma source(%dma_start3A_269 : memref<4064xi32, #tpu.memory_space<vmem>>) target(%dma_start3A_267 : memref<4064xi32, #tpu.memory_space<hbm>>) target_semaphore(%run_scoped3A : memref<!tpu.dma_semaphore, #tpu.memory_space<semaphore_mem>>)
        %dma_wait3A = arith.constant 0 : i32
        %dma_wait3A_270 = tpu.memref_slice %arg7[%dma_wait3A] : memref<4096xi32, #tpu.memory_space<vmem>> -> memref<4064xi32, #tpu.memory_space<vmem>>
        %dma_wait3A_271 = arith.constant 61440 : i32
        %dma_wait3A_272 = tpu.memref_slice %arg4[%dma_wait3A_271] : memref<65504xi32, #tpu.memory_space<hbm>> -> memref<4064xi32, #tpu.memory_space<hbm>>
        %dma_wait3A_273 = arith.constant 61440 : i32
        %dma_wait3A_274 = tpu.memref_slice %arg4[%dma_wait3A_273] : memref<65504xi32, #tpu.memory_space<hbm>> -> memref<4064xi32, #tpu.memory_space<hbm>>
        %dma_wait3A_275 = arith.constant 0 : i32
        %dma_wait3A_276 = tpu.memref_slice %arg7[%dma_wait3A_275] : memref<4096xi32, #tpu.memory_space<vmem>> -> memref<4064xi32, #tpu.memory_space<vmem>>
        tpu.wait_dma2 semaphore(%run_scoped3A : memref<!tpu.dma_semaphore, #tpu.memory_space<semaphore_mem>>) src(%dma_wait3A_276 : memref<4064xi32, #tpu.memory_space<vmem>>) dst(%dma_wait3A_274 : memref<4064xi32, #tpu.memory_space<hbm>>)
        tpu.yield
      }) : () -> ()
    } else {
    }
    return
  }
}

module attributes {stable_mosaic.version = 14 : i64} {
  func.func @body(%arg0: memref<32768x256xf32, #tpu.memory_space<hbm>>, %arg1: memref<32768x256xf32, #tpu.memory_space<hbm>>, %arg2: memref<8x4096x256xf32, #tpu.memory_space<vmem>>, %arg3: memref<8x!tpu.dma_semaphore, #tpu.memory_space<semaphore_mem>>, %arg4: memref<8x!tpu.dma_semaphore, #tpu.memory_space<semaphore_mem>>) attributes {dimension_semantics = [], scalar_prefetch = 0 : i64, scratch_operands = 3 : i64, tpu.core_type = #tpu.core_type<tc>} {
    %dma_start3A = arith.constant 0 : i32
    %dma_start3A_0 = arith.constant 0 : i32
    %dma_start3A_1 = tpu.memref_slice %arg3[%dma_start3A_0] : memref<8x!tpu.dma_semaphore, #tpu.memory_space<semaphore_mem>> -> memref<1x!tpu.dma_semaphore, #tpu.memory_space<semaphore_mem>>
    %dma_start3A_2 = tpu.memref_squeeze %dma_start3A_1 : memref<1x!tpu.dma_semaphore, #tpu.memory_space<semaphore_mem>> -> memref<!tpu.dma_semaphore, #tpu.memory_space<semaphore_mem>>
    %dma_start3A_3 = arith.constant 0 : i32
    %dma_start3A_4 = arith.constant 0 : i32
    %dma_start3A_5 = tpu.memref_slice %arg2[%dma_start3A, %dma_start3A_3, %dma_start3A_4] : memref<8x4096x256xf32, #tpu.memory_space<vmem>> -> memref<1x4096x256xf32, #tpu.memory_space<vmem>>
    %dma_start3A_6 = tpu.memref_squeeze %dma_start3A_5 : memref<1x4096x256xf32, #tpu.memory_space<vmem>> -> memref<4096x256xf32, #tpu.memory_space<vmem>>
    %dma_start3A_7 = arith.constant 0 : i32
    %dma_start3A_8 = arith.constant 0 : i32
    %dma_start3A_9 = tpu.memref_slice %arg0[%dma_start3A_7, %dma_start3A_8] : memref<32768x256xf32, #tpu.memory_space<hbm>> -> memref<4096x256xf32, #tpu.memory_space<hbm>>
    tpu.enqueue_dma source(%dma_start3A_9 : memref<4096x256xf32, #tpu.memory_space<hbm>>) target(%dma_start3A_6 : memref<4096x256xf32, #tpu.memory_space<vmem>>) target_semaphore(%dma_start3A_2 : memref<!tpu.dma_semaphore, #tpu.memory_space<semaphore_mem>>)
    %dma_start3A_10 = arith.constant 1 : i32
    %dma_start3A_11 = arith.constant 1 : i32
    %dma_start3A_12 = tpu.memref_slice %arg3[%dma_start3A_11] : memref<8x!tpu.dma_semaphore, #tpu.memory_space<semaphore_mem>> -> memref<1x!tpu.dma_semaphore, #tpu.memory_space<semaphore_mem>>
    %dma_start3A_13 = tpu.memref_squeeze %dma_start3A_12 : memref<1x!tpu.dma_semaphore, #tpu.memory_space<semaphore_mem>> -> memref<!tpu.dma_semaphore, #tpu.memory_space<semaphore_mem>>
    %dma_start3A_14 = arith.constant 0 : i32
    %dma_start3A_15 = arith.constant 0 : i32
    %dma_start3A_16 = tpu.memref_slice %arg2[%dma_start3A_10, %dma_start3A_14, %dma_start3A_15] : memref<8x4096x256xf32, #tpu.memory_space<vmem>> -> memref<1x4096x256xf32, #tpu.memory_space<vmem>>
    %dma_start3A_17 = tpu.memref_squeeze %dma_start3A_16 : memref<1x4096x256xf32, #tpu.memory_space<vmem>> -> memref<4096x256xf32, #tpu.memory_space<vmem>>
    %dma_start3A_18 = arith.constant 4096 : i32
    %dma_start3A_19 = arith.constant 0 : i32
    %dma_start3A_20 = tpu.memref_slice %arg0[%dma_start3A_18, %dma_start3A_19] : memref<32768x256xf32, #tpu.memory_space<hbm>> -> memref<4096x256xf32, #tpu.memory_space<hbm>>
    tpu.enqueue_dma source(%dma_start3A_20 : memref<4096x256xf32, #tpu.memory_space<hbm>>) target(%dma_start3A_17 : memref<4096x256xf32, #tpu.memory_space<vmem>>) target_semaphore(%dma_start3A_13 : memref<!tpu.dma_semaphore, #tpu.memory_space<semaphore_mem>>)
    %dma_start3A_21 = arith.constant 2 : i32
    %dma_start3A_22 = arith.constant 2 : i32
    %dma_start3A_23 = tpu.memref_slice %arg3[%dma_start3A_22] : memref<8x!tpu.dma_semaphore, #tpu.memory_space<semaphore_mem>> -> memref<1x!tpu.dma_semaphore, #tpu.memory_space<semaphore_mem>>
    %dma_start3A_24 = tpu.memref_squeeze %dma_start3A_23 : memref<1x!tpu.dma_semaphore, #tpu.memory_space<semaphore_mem>> -> memref<!tpu.dma_semaphore, #tpu.memory_space<semaphore_mem>>
    %dma_start3A_25 = arith.constant 0 : i32
    %dma_start3A_26 = arith.constant 0 : i32
    %dma_start3A_27 = tpu.memref_slice %arg2[%dma_start3A_21, %dma_start3A_25, %dma_start3A_26] : memref<8x4096x256xf32, #tpu.memory_space<vmem>> -> memref<1x4096x256xf32, #tpu.memory_space<vmem>>
    %dma_start3A_28 = tpu.memref_squeeze %dma_start3A_27 : memref<1x4096x256xf32, #tpu.memory_space<vmem>> -> memref<4096x256xf32, #tpu.memory_space<vmem>>
    %dma_start3A_29 = arith.constant 8192 : i32
    %dma_start3A_30 = arith.constant 0 : i32
    %dma_start3A_31 = tpu.memref_slice %arg0[%dma_start3A_29, %dma_start3A_30] : memref<32768x256xf32, #tpu.memory_space<hbm>> -> memref<4096x256xf32, #tpu.memory_space<hbm>>
    tpu.enqueue_dma source(%dma_start3A_31 : memref<4096x256xf32, #tpu.memory_space<hbm>>) target(%dma_start3A_28 : memref<4096x256xf32, #tpu.memory_space<vmem>>) target_semaphore(%dma_start3A_24 : memref<!tpu.dma_semaphore, #tpu.memory_space<semaphore_mem>>)
    %dma_start3A_32 = arith.constant 3 : i32
    %dma_start3A_33 = arith.constant 3 : i32
    %dma_start3A_34 = tpu.memref_slice %arg3[%dma_start3A_33] : memref<8x!tpu.dma_semaphore, #tpu.memory_space<semaphore_mem>> -> memref<1x!tpu.dma_semaphore, #tpu.memory_space<semaphore_mem>>
    %dma_start3A_35 = tpu.memref_squeeze %dma_start3A_34 : memref<1x!tpu.dma_semaphore, #tpu.memory_space<semaphore_mem>> -> memref<!tpu.dma_semaphore, #tpu.memory_space<semaphore_mem>>
    %dma_start3A_36 = arith.constant 0 : i32
    %dma_start3A_37 = arith.constant 0 : i32
    %dma_start3A_38 = tpu.memref_slice %arg2[%dma_start3A_32, %dma_start3A_36, %dma_start3A_37] : memref<8x4096x256xf32, #tpu.memory_space<vmem>> -> memref<1x4096x256xf32, #tpu.memory_space<vmem>>
    %dma_start3A_39 = tpu.memref_squeeze %dma_start3A_38 : memref<1x4096x256xf32, #tpu.memory_space<vmem>> -> memref<4096x256xf32, #tpu.memory_space<vmem>>
    %dma_start3A_40 = arith.constant 12288 : i32
    %dma_start3A_41 = arith.constant 0 : i32
    %dma_start3A_42 = tpu.memref_slice %arg0[%dma_start3A_40, %dma_start3A_41] : memref<32768x256xf32, #tpu.memory_space<hbm>> -> memref<4096x256xf32, #tpu.memory_space<hbm>>
    tpu.enqueue_dma source(%dma_start3A_42 : memref<4096x256xf32, #tpu.memory_space<hbm>>) target(%dma_start3A_39 : memref<4096x256xf32, #tpu.memory_space<vmem>>) target_semaphore(%dma_start3A_35 : memref<!tpu.dma_semaphore, #tpu.memory_space<semaphore_mem>>)
    %dma_start3A_43 = arith.constant 4 : i32
    %dma_start3A_44 = arith.constant 4 : i32
    %dma_start3A_45 = tpu.memref_slice %arg3[%dma_start3A_44] : memref<8x!tpu.dma_semaphore, #tpu.memory_space<semaphore_mem>> -> memref<1x!tpu.dma_semaphore, #tpu.memory_space<semaphore_mem>>
    %dma_start3A_46 = tpu.memref_squeeze %dma_start3A_45 : memref<1x!tpu.dma_semaphore, #tpu.memory_space<semaphore_mem>> -> memref<!tpu.dma_semaphore, #tpu.memory_space<semaphore_mem>>
    %dma_start3A_47 = arith.constant 0 : i32
    %dma_start3A_48 = arith.constant 0 : i32
    %dma_start3A_49 = tpu.memref_slice %arg2[%dma_start3A_43, %dma_start3A_47, %dma_start3A_48] : memref<8x4096x256xf32, #tpu.memory_space<vmem>> -> memref<1x4096x256xf32, #tpu.memory_space<vmem>>
    %dma_start3A_50 = tpu.memref_squeeze %dma_start3A_49 : memref<1x4096x256xf32, #tpu.memory_space<vmem>> -> memref<4096x256xf32, #tpu.memory_space<vmem>>
    %dma_start3A_51 = arith.constant 16384 : i32
    %dma_start3A_52 = arith.constant 0 : i32
    %dma_start3A_53 = tpu.memref_slice %arg0[%dma_start3A_51, %dma_start3A_52] : memref<32768x256xf32, #tpu.memory_space<hbm>> -> memref<4096x256xf32, #tpu.memory_space<hbm>>
    tpu.enqueue_dma source(%dma_start3A_53 : memref<4096x256xf32, #tpu.memory_space<hbm>>) target(%dma_start3A_50 : memref<4096x256xf32, #tpu.memory_space<vmem>>) target_semaphore(%dma_start3A_46 : memref<!tpu.dma_semaphore, #tpu.memory_space<semaphore_mem>>)
    %dma_start3A_54 = arith.constant 5 : i32
    %dma_start3A_55 = arith.constant 5 : i32
    %dma_start3A_56 = tpu.memref_slice %arg3[%dma_start3A_55] : memref<8x!tpu.dma_semaphore, #tpu.memory_space<semaphore_mem>> -> memref<1x!tpu.dma_semaphore, #tpu.memory_space<semaphore_mem>>
    %dma_start3A_57 = tpu.memref_squeeze %dma_start3A_56 : memref<1x!tpu.dma_semaphore, #tpu.memory_space<semaphore_mem>> -> memref<!tpu.dma_semaphore, #tpu.memory_space<semaphore_mem>>
    %dma_start3A_58 = arith.constant 0 : i32
    %dma_start3A_59 = arith.constant 0 : i32
    %dma_start3A_60 = tpu.memref_slice %arg2[%dma_start3A_54, %dma_start3A_58, %dma_start3A_59] : memref<8x4096x256xf32, #tpu.memory_space<vmem>> -> memref<1x4096x256xf32, #tpu.memory_space<vmem>>
    %dma_start3A_61 = tpu.memref_squeeze %dma_start3A_60 : memref<1x4096x256xf32, #tpu.memory_space<vmem>> -> memref<4096x256xf32, #tpu.memory_space<vmem>>
    %dma_start3A_62 = arith.constant 20480 : i32
    %dma_start3A_63 = arith.constant 0 : i32
    %dma_start3A_64 = tpu.memref_slice %arg0[%dma_start3A_62, %dma_start3A_63] : memref<32768x256xf32, #tpu.memory_space<hbm>> -> memref<4096x256xf32, #tpu.memory_space<hbm>>
    tpu.enqueue_dma source(%dma_start3A_64 : memref<4096x256xf32, #tpu.memory_space<hbm>>) target(%dma_start3A_61 : memref<4096x256xf32, #tpu.memory_space<vmem>>) target_semaphore(%dma_start3A_57 : memref<!tpu.dma_semaphore, #tpu.memory_space<semaphore_mem>>)
    %dma_start3A_65 = arith.constant 6 : i32
    %dma_start3A_66 = arith.constant 6 : i32
    %dma_start3A_67 = tpu.memref_slice %arg3[%dma_start3A_66] : memref<8x!tpu.dma_semaphore, #tpu.memory_space<semaphore_mem>> -> memref<1x!tpu.dma_semaphore, #tpu.memory_space<semaphore_mem>>
    %dma_start3A_68 = tpu.memref_squeeze %dma_start3A_67 : memref<1x!tpu.dma_semaphore, #tpu.memory_space<semaphore_mem>> -> memref<!tpu.dma_semaphore, #tpu.memory_space<semaphore_mem>>
    %dma_start3A_69 = arith.constant 0 : i32
    %dma_start3A_70 = arith.constant 0 : i32
    %dma_start3A_71 = tpu.memref_slice %arg2[%dma_start3A_65, %dma_start3A_69, %dma_start3A_70] : memref<8x4096x256xf32, #tpu.memory_space<vmem>> -> memref<1x4096x256xf32, #tpu.memory_space<vmem>>
    %dma_start3A_72 = tpu.memref_squeeze %dma_start3A_71 : memref<1x4096x256xf32, #tpu.memory_space<vmem>> -> memref<4096x256xf32, #tpu.memory_space<vmem>>
    %dma_start3A_73 = arith.constant 24576 : i32
    %dma_start3A_74 = arith.constant 0 : i32
    %dma_start3A_75 = tpu.memref_slice %arg0[%dma_start3A_73, %dma_start3A_74] : memref<32768x256xf32, #tpu.memory_space<hbm>> -> memref<4096x256xf32, #tpu.memory_space<hbm>>
    tpu.enqueue_dma source(%dma_start3A_75 : memref<4096x256xf32, #tpu.memory_space<hbm>>) target(%dma_start3A_72 : memref<4096x256xf32, #tpu.memory_space<vmem>>) target_semaphore(%dma_start3A_68 : memref<!tpu.dma_semaphore, #tpu.memory_space<semaphore_mem>>)
    %dma_start3A_76 = arith.constant 7 : i32
    %dma_start3A_77 = arith.constant 7 : i32
    %dma_start3A_78 = tpu.memref_slice %arg3[%dma_start3A_77] : memref<8x!tpu.dma_semaphore, #tpu.memory_space<semaphore_mem>> -> memref<1x!tpu.dma_semaphore, #tpu.memory_space<semaphore_mem>>
    %dma_start3A_79 = tpu.memref_squeeze %dma_start3A_78 : memref<1x!tpu.dma_semaphore, #tpu.memory_space<semaphore_mem>> -> memref<!tpu.dma_semaphore, #tpu.memory_space<semaphore_mem>>
    %dma_start3A_80 = arith.constant 0 : i32
    %dma_start3A_81 = arith.constant 0 : i32
    %dma_start3A_82 = tpu.memref_slice %arg2[%dma_start3A_76, %dma_start3A_80, %dma_start3A_81] : memref<8x4096x256xf32, #tpu.memory_space<vmem>> -> memref<1x4096x256xf32, #tpu.memory_space<vmem>>
    %dma_start3A_83 = tpu.memref_squeeze %dma_start3A_82 : memref<1x4096x256xf32, #tpu.memory_space<vmem>> -> memref<4096x256xf32, #tpu.memory_space<vmem>>
    %dma_start3A_84 = arith.constant 28672 : i32
    %dma_start3A_85 = arith.constant 0 : i32
    %dma_start3A_86 = tpu.memref_slice %arg0[%dma_start3A_84, %dma_start3A_85] : memref<32768x256xf32, #tpu.memory_space<hbm>> -> memref<4096x256xf32, #tpu.memory_space<hbm>>
    tpu.enqueue_dma source(%dma_start3A_86 : memref<4096x256xf32, #tpu.memory_space<hbm>>) target(%dma_start3A_83 : memref<4096x256xf32, #tpu.memory_space<vmem>>) target_semaphore(%dma_start3A_79 : memref<!tpu.dma_semaphore, #tpu.memory_space<semaphore_mem>>)
    %dma_wait3A = arith.constant 0 : i32
    %dma_wait3A_87 = arith.constant 0 : i32
    %dma_wait3A_88 = tpu.memref_slice %arg3[%dma_wait3A_87] : memref<8x!tpu.dma_semaphore, #tpu.memory_space<semaphore_mem>> -> memref<1x!tpu.dma_semaphore, #tpu.memory_space<semaphore_mem>>
    %dma_wait3A_89 = tpu.memref_squeeze %dma_wait3A_88 : memref<1x!tpu.dma_semaphore, #tpu.memory_space<semaphore_mem>> -> memref<!tpu.dma_semaphore, #tpu.memory_space<semaphore_mem>>
    %dma_wait3A_90 = arith.constant 0 : i32
    %dma_wait3A_91 = arith.constant 0 : i32
    %dma_wait3A_92 = tpu.memref_slice %arg2[%dma_wait3A, %dma_wait3A_90, %dma_wait3A_91] : memref<8x4096x256xf32, #tpu.memory_space<vmem>> -> memref<1x4096x256xf32, #tpu.memory_space<vmem>>
    %dma_wait3A_93 = tpu.memref_squeeze %dma_wait3A_92 : memref<1x4096x256xf32, #tpu.memory_space<vmem>> -> memref<4096x256xf32, #tpu.memory_space<vmem>>
    %dma_wait3A_94 = arith.constant 0 : i32
    %dma_wait3A_95 = arith.constant 0 : i32
    %dma_wait3A_96 = tpu.memref_slice %arg0[%dma_wait3A_94, %dma_wait3A_95] : memref<32768x256xf32, #tpu.memory_space<hbm>> -> memref<4096x256xf32, #tpu.memory_space<hbm>>
    tpu.wait_dma2 semaphore(%dma_wait3A_89 : memref<!tpu.dma_semaphore, #tpu.memory_space<semaphore_mem>>) src(%dma_wait3A_96 : memref<4096x256xf32, #tpu.memory_space<hbm>>) dst(%dma_wait3A_93 : memref<4096x256xf32, #tpu.memory_space<vmem>>)
    %dma_start3A_97 = arith.constant 0 : i32
    %dma_start3A_98 = arith.constant 0 : i32
    %dma_start3A_99 = tpu.memref_slice %arg4[%dma_start3A_98] : memref<8x!tpu.dma_semaphore, #tpu.memory_space<semaphore_mem>> -> memref<1x!tpu.dma_semaphore, #tpu.memory_space<semaphore_mem>>
    %dma_start3A_100 = tpu.memref_squeeze %dma_start3A_99 : memref<1x!tpu.dma_semaphore, #tpu.memory_space<semaphore_mem>> -> memref<!tpu.dma_semaphore, #tpu.memory_space<semaphore_mem>>
    %dma_start3A_101 = arith.constant 0 : i32
    %dma_start3A_102 = arith.constant 0 : i32
    %dma_start3A_103 = tpu.memref_slice %arg1[%dma_start3A_101, %dma_start3A_102] : memref<32768x256xf32, #tpu.memory_space<hbm>> -> memref<4096x256xf32, #tpu.memory_space<hbm>>
    %dma_start3A_104 = arith.constant 0 : i32
    %dma_start3A_105 = arith.constant 0 : i32
    %dma_start3A_106 = tpu.memref_slice %arg2[%dma_start3A_97, %dma_start3A_104, %dma_start3A_105] : memref<8x4096x256xf32, #tpu.memory_space<vmem>> -> memref<1x4096x256xf32, #tpu.memory_space<vmem>>
    %dma_start3A_107 = tpu.memref_squeeze %dma_start3A_106 : memref<1x4096x256xf32, #tpu.memory_space<vmem>> -> memref<4096x256xf32, #tpu.memory_space<vmem>>
    tpu.enqueue_dma source(%dma_start3A_107 : memref<4096x256xf32, #tpu.memory_space<vmem>>) target(%dma_start3A_103 : memref<4096x256xf32, #tpu.memory_space<hbm>>) target_semaphore(%dma_start3A_100 : memref<!tpu.dma_semaphore, #tpu.memory_space<semaphore_mem>>)
    %dma_wait3A_108 = arith.constant 1 : i32
    %dma_wait3A_109 = arith.constant 1 : i32
    %dma_wait3A_110 = tpu.memref_slice %arg3[%dma_wait3A_109] : memref<8x!tpu.dma_semaphore, #tpu.memory_space<semaphore_mem>> -> memref<1x!tpu.dma_semaphore, #tpu.memory_space<semaphore_mem>>
    %dma_wait3A_111 = tpu.memref_squeeze %dma_wait3A_110 : memref<1x!tpu.dma_semaphore, #tpu.memory_space<semaphore_mem>> -> memref<!tpu.dma_semaphore, #tpu.memory_space<semaphore_mem>>
    %dma_wait3A_112 = arith.constant 0 : i32
    %dma_wait3A_113 = arith.constant 0 : i32
    %dma_wait3A_114 = tpu.memref_slice %arg2[%dma_wait3A_108, %dma_wait3A_112, %dma_wait3A_113] : memref<8x4096x256xf32, #tpu.memory_space<vmem>> -> memref<1x4096x256xf32, #tpu.memory_space<vmem>>
    %dma_wait3A_115 = tpu.memref_squeeze %dma_wait3A_114 : memref<1x4096x256xf32, #tpu.memory_space<vmem>> -> memref<4096x256xf32, #tpu.memory_space<vmem>>
    %dma_wait3A_116 = arith.constant 4096 : i32
    %dma_wait3A_117 = arith.constant 0 : i32
    %dma_wait3A_118 = tpu.memref_slice %arg0[%dma_wait3A_116, %dma_wait3A_117] : memref<32768x256xf32, #tpu.memory_space<hbm>> -> memref<4096x256xf32, #tpu.memory_space<hbm>>
    tpu.wait_dma2 semaphore(%dma_wait3A_111 : memref<!tpu.dma_semaphore, #tpu.memory_space<semaphore_mem>>) src(%dma_wait3A_118 : memref<4096x256xf32, #tpu.memory_space<hbm>>) dst(%dma_wait3A_115 : memref<4096x256xf32, #tpu.memory_space<vmem>>)
    %dma_start3A_119 = arith.constant 1 : i32
    %dma_start3A_120 = arith.constant 1 : i32
    %dma_start3A_121 = tpu.memref_slice %arg4[%dma_start3A_120] : memref<8x!tpu.dma_semaphore, #tpu.memory_space<semaphore_mem>> -> memref<1x!tpu.dma_semaphore, #tpu.memory_space<semaphore_mem>>
    %dma_start3A_122 = tpu.memref_squeeze %dma_start3A_121 : memref<1x!tpu.dma_semaphore, #tpu.memory_space<semaphore_mem>> -> memref<!tpu.dma_semaphore, #tpu.memory_space<semaphore_mem>>
    %dma_start3A_123 = arith.constant 4096 : i32
    %dma_start3A_124 = arith.constant 0 : i32
    %dma_start3A_125 = tpu.memref_slice %arg1[%dma_start3A_123, %dma_start3A_124] : memref<32768x256xf32, #tpu.memory_space<hbm>> -> memref<4096x256xf32, #tpu.memory_space<hbm>>
    %dma_start3A_126 = arith.constant 0 : i32
    %dma_start3A_127 = arith.constant 0 : i32
    %dma_start3A_128 = tpu.memref_slice %arg2[%dma_start3A_119, %dma_start3A_126, %dma_start3A_127] : memref<8x4096x256xf32, #tpu.memory_space<vmem>> -> memref<1x4096x256xf32, #tpu.memory_space<vmem>>
    %dma_start3A_129 = tpu.memref_squeeze %dma_start3A_128 : memref<1x4096x256xf32, #tpu.memory_space<vmem>> -> memref<4096x256xf32, #tpu.memory_space<vmem>>
    tpu.enqueue_dma source(%dma_start3A_129 : memref<4096x256xf32, #tpu.memory_space<vmem>>) target(%dma_start3A_125 : memref<4096x256xf32, #tpu.memory_space<hbm>>) target_semaphore(%dma_start3A_122 : memref<!tpu.dma_semaphore, #tpu.memory_space<semaphore_mem>>)
    %dma_wait3A_130 = arith.constant 2 : i32
    %dma_wait3A_131 = arith.constant 2 : i32
    %dma_wait3A_132 = tpu.memref_slice %arg3[%dma_wait3A_131] : memref<8x!tpu.dma_semaphore, #tpu.memory_space<semaphore_mem>> -> memref<1x!tpu.dma_semaphore, #tpu.memory_space<semaphore_mem>>
    %dma_wait3A_133 = tpu.memref_squeeze %dma_wait3A_132 : memref<1x!tpu.dma_semaphore, #tpu.memory_space<semaphore_mem>> -> memref<!tpu.dma_semaphore, #tpu.memory_space<semaphore_mem>>
    %dma_wait3A_134 = arith.constant 0 : i32
    %dma_wait3A_135 = arith.constant 0 : i32
    %dma_wait3A_136 = tpu.memref_slice %arg2[%dma_wait3A_130, %dma_wait3A_134, %dma_wait3A_135] : memref<8x4096x256xf32, #tpu.memory_space<vmem>> -> memref<1x4096x256xf32, #tpu.memory_space<vmem>>
    %dma_wait3A_137 = tpu.memref_squeeze %dma_wait3A_136 : memref<1x4096x256xf32, #tpu.memory_space<vmem>> -> memref<4096x256xf32, #tpu.memory_space<vmem>>
    %dma_wait3A_138 = arith.constant 8192 : i32
    %dma_wait3A_139 = arith.constant 0 : i32
    %dma_wait3A_140 = tpu.memref_slice %arg0[%dma_wait3A_138, %dma_wait3A_139] : memref<32768x256xf32, #tpu.memory_space<hbm>> -> memref<4096x256xf32, #tpu.memory_space<hbm>>
    tpu.wait_dma2 semaphore(%dma_wait3A_133 : memref<!tpu.dma_semaphore, #tpu.memory_space<semaphore_mem>>) src(%dma_wait3A_140 : memref<4096x256xf32, #tpu.memory_space<hbm>>) dst(%dma_wait3A_137 : memref<4096x256xf32, #tpu.memory_space<vmem>>)
    %dma_start3A_141 = arith.constant 2 : i32
    %dma_start3A_142 = arith.constant 2 : i32
    %dma_start3A_143 = tpu.memref_slice %arg4[%dma_start3A_142] : memref<8x!tpu.dma_semaphore, #tpu.memory_space<semaphore_mem>> -> memref<1x!tpu.dma_semaphore, #tpu.memory_space<semaphore_mem>>
    %dma_start3A_144 = tpu.memref_squeeze %dma_start3A_143 : memref<1x!tpu.dma_semaphore, #tpu.memory_space<semaphore_mem>> -> memref<!tpu.dma_semaphore, #tpu.memory_space<semaphore_mem>>
    %dma_start3A_145 = arith.constant 8192 : i32
    %dma_start3A_146 = arith.constant 0 : i32
    %dma_start3A_147 = tpu.memref_slice %arg1[%dma_start3A_145, %dma_start3A_146] : memref<32768x256xf32, #tpu.memory_space<hbm>> -> memref<4096x256xf32, #tpu.memory_space<hbm>>
    %dma_start3A_148 = arith.constant 0 : i32
    %dma_start3A_149 = arith.constant 0 : i32
    %dma_start3A_150 = tpu.memref_slice %arg2[%dma_start3A_141, %dma_start3A_148, %dma_start3A_149] : memref<8x4096x256xf32, #tpu.memory_space<vmem>> -> memref<1x4096x256xf32, #tpu.memory_space<vmem>>
    %dma_start3A_151 = tpu.memref_squeeze %dma_start3A_150 : memref<1x4096x256xf32, #tpu.memory_space<vmem>> -> memref<4096x256xf32, #tpu.memory_space<vmem>>
    tpu.enqueue_dma source(%dma_start3A_151 : memref<4096x256xf32, #tpu.memory_space<vmem>>) target(%dma_start3A_147 : memref<4096x256xf32, #tpu.memory_space<hbm>>) target_semaphore(%dma_start3A_144 : memref<!tpu.dma_semaphore, #tpu.memory_space<semaphore_mem>>)
    %dma_wait3A_152 = arith.constant 3 : i32
    %dma_wait3A_153 = arith.constant 3 : i32
    %dma_wait3A_154 = tpu.memref_slice %arg3[%dma_wait3A_153] : memref<8x!tpu.dma_semaphore, #tpu.memory_space<semaphore_mem>> -> memref<1x!tpu.dma_semaphore, #tpu.memory_space<semaphore_mem>>
    %dma_wait3A_155 = tpu.memref_squeeze %dma_wait3A_154 : memref<1x!tpu.dma_semaphore, #tpu.memory_space<semaphore_mem>> -> memref<!tpu.dma_semaphore, #tpu.memory_space<semaphore_mem>>
    %dma_wait3A_156 = arith.constant 0 : i32
    %dma_wait3A_157 = arith.constant 0 : i32
    %dma_wait3A_158 = tpu.memref_slice %arg2[%dma_wait3A_152, %dma_wait3A_156, %dma_wait3A_157] : memref<8x4096x256xf32, #tpu.memory_space<vmem>> -> memref<1x4096x256xf32, #tpu.memory_space<vmem>>
    %dma_wait3A_159 = tpu.memref_squeeze %dma_wait3A_158 : memref<1x4096x256xf32, #tpu.memory_space<vmem>> -> memref<4096x256xf32, #tpu.memory_space<vmem>>
    %dma_wait3A_160 = arith.constant 12288 : i32
    %dma_wait3A_161 = arith.constant 0 : i32
    %dma_wait3A_162 = tpu.memref_slice %arg0[%dma_wait3A_160, %dma_wait3A_161] : memref<32768x256xf32, #tpu.memory_space<hbm>> -> memref<4096x256xf32, #tpu.memory_space<hbm>>
    tpu.wait_dma2 semaphore(%dma_wait3A_155 : memref<!tpu.dma_semaphore, #tpu.memory_space<semaphore_mem>>) src(%dma_wait3A_162 : memref<4096x256xf32, #tpu.memory_space<hbm>>) dst(%dma_wait3A_159 : memref<4096x256xf32, #tpu.memory_space<vmem>>)
    %dma_start3A_163 = arith.constant 3 : i32
    %dma_start3A_164 = arith.constant 3 : i32
    %dma_start3A_165 = tpu.memref_slice %arg4[%dma_start3A_164] : memref<8x!tpu.dma_semaphore, #tpu.memory_space<semaphore_mem>> -> memref<1x!tpu.dma_semaphore, #tpu.memory_space<semaphore_mem>>
    %dma_start3A_166 = tpu.memref_squeeze %dma_start3A_165 : memref<1x!tpu.dma_semaphore, #tpu.memory_space<semaphore_mem>> -> memref<!tpu.dma_semaphore, #tpu.memory_space<semaphore_mem>>
    %dma_start3A_167 = arith.constant 12288 : i32
    %dma_start3A_168 = arith.constant 0 : i32
    %dma_start3A_169 = tpu.memref_slice %arg1[%dma_start3A_167, %dma_start3A_168] : memref<32768x256xf32, #tpu.memory_space<hbm>> -> memref<4096x256xf32, #tpu.memory_space<hbm>>
    %dma_start3A_170 = arith.constant 0 : i32
    %dma_start3A_171 = arith.constant 0 : i32
    %dma_start3A_172 = tpu.memref_slice %arg2[%dma_start3A_163, %dma_start3A_170, %dma_start3A_171] : memref<8x4096x256xf32, #tpu.memory_space<vmem>> -> memref<1x4096x256xf32, #tpu.memory_space<vmem>>
    %dma_start3A_173 = tpu.memref_squeeze %dma_start3A_172 : memref<1x4096x256xf32, #tpu.memory_space<vmem>> -> memref<4096x256xf32, #tpu.memory_space<vmem>>
    tpu.enqueue_dma source(%dma_start3A_173 : memref<4096x256xf32, #tpu.memory_space<vmem>>) target(%dma_start3A_169 : memref<4096x256xf32, #tpu.memory_space<hbm>>) target_semaphore(%dma_start3A_166 : memref<!tpu.dma_semaphore, #tpu.memory_space<semaphore_mem>>)
    %dma_wait3A_174 = arith.constant 4 : i32
    %dma_wait3A_175 = arith.constant 4 : i32
    %dma_wait3A_176 = tpu.memref_slice %arg3[%dma_wait3A_175] : memref<8x!tpu.dma_semaphore, #tpu.memory_space<semaphore_mem>> -> memref<1x!tpu.dma_semaphore, #tpu.memory_space<semaphore_mem>>
    %dma_wait3A_177 = tpu.memref_squeeze %dma_wait3A_176 : memref<1x!tpu.dma_semaphore, #tpu.memory_space<semaphore_mem>> -> memref<!tpu.dma_semaphore, #tpu.memory_space<semaphore_mem>>
    %dma_wait3A_178 = arith.constant 0 : i32
    %dma_wait3A_179 = arith.constant 0 : i32
    %dma_wait3A_180 = tpu.memref_slice %arg2[%dma_wait3A_174, %dma_wait3A_178, %dma_wait3A_179] : memref<8x4096x256xf32, #tpu.memory_space<vmem>> -> memref<1x4096x256xf32, #tpu.memory_space<vmem>>
    %dma_wait3A_181 = tpu.memref_squeeze %dma_wait3A_180 : memref<1x4096x256xf32, #tpu.memory_space<vmem>> -> memref<4096x256xf32, #tpu.memory_space<vmem>>
    %dma_wait3A_182 = arith.constant 16384 : i32
    %dma_wait3A_183 = arith.constant 0 : i32
    %dma_wait3A_184 = tpu.memref_slice %arg0[%dma_wait3A_182, %dma_wait3A_183] : memref<32768x256xf32, #tpu.memory_space<hbm>> -> memref<4096x256xf32, #tpu.memory_space<hbm>>
    tpu.wait_dma2 semaphore(%dma_wait3A_177 : memref<!tpu.dma_semaphore, #tpu.memory_space<semaphore_mem>>) src(%dma_wait3A_184 : memref<4096x256xf32, #tpu.memory_space<hbm>>) dst(%dma_wait3A_181 : memref<4096x256xf32, #tpu.memory_space<vmem>>)
    %dma_start3A_185 = arith.constant 4 : i32
    %dma_start3A_186 = arith.constant 4 : i32
    %dma_start3A_187 = tpu.memref_slice %arg4[%dma_start3A_186] : memref<8x!tpu.dma_semaphore, #tpu.memory_space<semaphore_mem>> -> memref<1x!tpu.dma_semaphore, #tpu.memory_space<semaphore_mem>>
    %dma_start3A_188 = tpu.memref_squeeze %dma_start3A_187 : memref<1x!tpu.dma_semaphore, #tpu.memory_space<semaphore_mem>> -> memref<!tpu.dma_semaphore, #tpu.memory_space<semaphore_mem>>
    %dma_start3A_189 = arith.constant 16384 : i32
    %dma_start3A_190 = arith.constant 0 : i32
    %dma_start3A_191 = tpu.memref_slice %arg1[%dma_start3A_189, %dma_start3A_190] : memref<32768x256xf32, #tpu.memory_space<hbm>> -> memref<4096x256xf32, #tpu.memory_space<hbm>>
    %dma_start3A_192 = arith.constant 0 : i32
    %dma_start3A_193 = arith.constant 0 : i32
    %dma_start3A_194 = tpu.memref_slice %arg2[%dma_start3A_185, %dma_start3A_192, %dma_start3A_193] : memref<8x4096x256xf32, #tpu.memory_space<vmem>> -> memref<1x4096x256xf32, #tpu.memory_space<vmem>>
    %dma_start3A_195 = tpu.memref_squeeze %dma_start3A_194 : memref<1x4096x256xf32, #tpu.memory_space<vmem>> -> memref<4096x256xf32, #tpu.memory_space<vmem>>
    tpu.enqueue_dma source(%dma_start3A_195 : memref<4096x256xf32, #tpu.memory_space<vmem>>) target(%dma_start3A_191 : memref<4096x256xf32, #tpu.memory_space<hbm>>) target_semaphore(%dma_start3A_188 : memref<!tpu.dma_semaphore, #tpu.memory_space<semaphore_mem>>)
    %dma_wait3A_196 = arith.constant 5 : i32
    %dma_wait3A_197 = arith.constant 5 : i32
    %dma_wait3A_198 = tpu.memref_slice %arg3[%dma_wait3A_197] : memref<8x!tpu.dma_semaphore, #tpu.memory_space<semaphore_mem>> -> memref<1x!tpu.dma_semaphore, #tpu.memory_space<semaphore_mem>>
    %dma_wait3A_199 = tpu.memref_squeeze %dma_wait3A_198 : memref<1x!tpu.dma_semaphore, #tpu.memory_space<semaphore_mem>> -> memref<!tpu.dma_semaphore, #tpu.memory_space<semaphore_mem>>
    %dma_wait3A_200 = arith.constant 0 : i32
    %dma_wait3A_201 = arith.constant 0 : i32
    %dma_wait3A_202 = tpu.memref_slice %arg2[%dma_wait3A_196, %dma_wait3A_200, %dma_wait3A_201] : memref<8x4096x256xf32, #tpu.memory_space<vmem>> -> memref<1x4096x256xf32, #tpu.memory_space<vmem>>
    %dma_wait3A_203 = tpu.memref_squeeze %dma_wait3A_202 : memref<1x4096x256xf32, #tpu.memory_space<vmem>> -> memref<4096x256xf32, #tpu.memory_space<vmem>>
    %dma_wait3A_204 = arith.constant 20480 : i32
    %dma_wait3A_205 = arith.constant 0 : i32
    %dma_wait3A_206 = tpu.memref_slice %arg0[%dma_wait3A_204, %dma_wait3A_205] : memref<32768x256xf32, #tpu.memory_space<hbm>> -> memref<4096x256xf32, #tpu.memory_space<hbm>>
    tpu.wait_dma2 semaphore(%dma_wait3A_199 : memref<!tpu.dma_semaphore, #tpu.memory_space<semaphore_mem>>) src(%dma_wait3A_206 : memref<4096x256xf32, #tpu.memory_space<hbm>>) dst(%dma_wait3A_203 : memref<4096x256xf32, #tpu.memory_space<vmem>>)
    %dma_start3A_207 = arith.constant 5 : i32
    %dma_start3A_208 = arith.constant 5 : i32
    %dma_start3A_209 = tpu.memref_slice %arg4[%dma_start3A_208] : memref<8x!tpu.dma_semaphore, #tpu.memory_space<semaphore_mem>> -> memref<1x!tpu.dma_semaphore, #tpu.memory_space<semaphore_mem>>
    %dma_start3A_210 = tpu.memref_squeeze %dma_start3A_209 : memref<1x!tpu.dma_semaphore, #tpu.memory_space<semaphore_mem>> -> memref<!tpu.dma_semaphore, #tpu.memory_space<semaphore_mem>>
    %dma_start3A_211 = arith.constant 20480 : i32
    %dma_start3A_212 = arith.constant 0 : i32
    %dma_start3A_213 = tpu.memref_slice %arg1[%dma_start3A_211, %dma_start3A_212] : memref<32768x256xf32, #tpu.memory_space<hbm>> -> memref<4096x256xf32, #tpu.memory_space<hbm>>
    %dma_start3A_214 = arith.constant 0 : i32
    %dma_start3A_215 = arith.constant 0 : i32
    %dma_start3A_216 = tpu.memref_slice %arg2[%dma_start3A_207, %dma_start3A_214, %dma_start3A_215] : memref<8x4096x256xf32, #tpu.memory_space<vmem>> -> memref<1x4096x256xf32, #tpu.memory_space<vmem>>
    %dma_start3A_217 = tpu.memref_squeeze %dma_start3A_216 : memref<1x4096x256xf32, #tpu.memory_space<vmem>> -> memref<4096x256xf32, #tpu.memory_space<vmem>>
    tpu.enqueue_dma source(%dma_start3A_217 : memref<4096x256xf32, #tpu.memory_space<vmem>>) target(%dma_start3A_213 : memref<4096x256xf32, #tpu.memory_space<hbm>>) target_semaphore(%dma_start3A_210 : memref<!tpu.dma_semaphore, #tpu.memory_space<semaphore_mem>>)
    %dma_wait3A_218 = arith.constant 6 : i32
    %dma_wait3A_219 = arith.constant 6 : i32
    %dma_wait3A_220 = tpu.memref_slice %arg3[%dma_wait3A_219] : memref<8x!tpu.dma_semaphore, #tpu.memory_space<semaphore_mem>> -> memref<1x!tpu.dma_semaphore, #tpu.memory_space<semaphore_mem>>
    %dma_wait3A_221 = tpu.memref_squeeze %dma_wait3A_220 : memref<1x!tpu.dma_semaphore, #tpu.memory_space<semaphore_mem>> -> memref<!tpu.dma_semaphore, #tpu.memory_space<semaphore_mem>>
    %dma_wait3A_222 = arith.constant 0 : i32
    %dma_wait3A_223 = arith.constant 0 : i32
    %dma_wait3A_224 = tpu.memref_slice %arg2[%dma_wait3A_218, %dma_wait3A_222, %dma_wait3A_223] : memref<8x4096x256xf32, #tpu.memory_space<vmem>> -> memref<1x4096x256xf32, #tpu.memory_space<vmem>>
    %dma_wait3A_225 = tpu.memref_squeeze %dma_wait3A_224 : memref<1x4096x256xf32, #tpu.memory_space<vmem>> -> memref<4096x256xf32, #tpu.memory_space<vmem>>
    %dma_wait3A_226 = arith.constant 24576 : i32
    %dma_wait3A_227 = arith.constant 0 : i32
    %dma_wait3A_228 = tpu.memref_slice %arg0[%dma_wait3A_226, %dma_wait3A_227] : memref<32768x256xf32, #tpu.memory_space<hbm>> -> memref<4096x256xf32, #tpu.memory_space<hbm>>
    tpu.wait_dma2 semaphore(%dma_wait3A_221 : memref<!tpu.dma_semaphore, #tpu.memory_space<semaphore_mem>>) src(%dma_wait3A_228 : memref<4096x256xf32, #tpu.memory_space<hbm>>) dst(%dma_wait3A_225 : memref<4096x256xf32, #tpu.memory_space<vmem>>)
    %dma_start3A_229 = arith.constant 6 : i32
    %dma_start3A_230 = arith.constant 6 : i32
    %dma_start3A_231 = tpu.memref_slice %arg4[%dma_start3A_230] : memref<8x!tpu.dma_semaphore, #tpu.memory_space<semaphore_mem>> -> memref<1x!tpu.dma_semaphore, #tpu.memory_space<semaphore_mem>>
    %dma_start3A_232 = tpu.memref_squeeze %dma_start3A_231 : memref<1x!tpu.dma_semaphore, #tpu.memory_space<semaphore_mem>> -> memref<!tpu.dma_semaphore, #tpu.memory_space<semaphore_mem>>
    %dma_start3A_233 = arith.constant 24576 : i32
    %dma_start3A_234 = arith.constant 0 : i32
    %dma_start3A_235 = tpu.memref_slice %arg1[%dma_start3A_233, %dma_start3A_234] : memref<32768x256xf32, #tpu.memory_space<hbm>> -> memref<4096x256xf32, #tpu.memory_space<hbm>>
    %dma_start3A_236 = arith.constant 0 : i32
    %dma_start3A_237 = arith.constant 0 : i32
    %dma_start3A_238 = tpu.memref_slice %arg2[%dma_start3A_229, %dma_start3A_236, %dma_start3A_237] : memref<8x4096x256xf32, #tpu.memory_space<vmem>> -> memref<1x4096x256xf32, #tpu.memory_space<vmem>>
    %dma_start3A_239 = tpu.memref_squeeze %dma_start3A_238 : memref<1x4096x256xf32, #tpu.memory_space<vmem>> -> memref<4096x256xf32, #tpu.memory_space<vmem>>
    tpu.enqueue_dma source(%dma_start3A_239 : memref<4096x256xf32, #tpu.memory_space<vmem>>) target(%dma_start3A_235 : memref<4096x256xf32, #tpu.memory_space<hbm>>) target_semaphore(%dma_start3A_232 : memref<!tpu.dma_semaphore, #tpu.memory_space<semaphore_mem>>)
    %dma_wait3A_240 = arith.constant 7 : i32
    %dma_wait3A_241 = arith.constant 7 : i32
    %dma_wait3A_242 = tpu.memref_slice %arg3[%dma_wait3A_241] : memref<8x!tpu.dma_semaphore, #tpu.memory_space<semaphore_mem>> -> memref<1x!tpu.dma_semaphore, #tpu.memory_space<semaphore_mem>>
    %dma_wait3A_243 = tpu.memref_squeeze %dma_wait3A_242 : memref<1x!tpu.dma_semaphore, #tpu.memory_space<semaphore_mem>> -> memref<!tpu.dma_semaphore, #tpu.memory_space<semaphore_mem>>
    %dma_wait3A_244 = arith.constant 0 : i32
    %dma_wait3A_245 = arith.constant 0 : i32
    %dma_wait3A_246 = tpu.memref_slice %arg2[%dma_wait3A_240, %dma_wait3A_244, %dma_wait3A_245] : memref<8x4096x256xf32, #tpu.memory_space<vmem>> -> memref<1x4096x256xf32, #tpu.memory_space<vmem>>
    %dma_wait3A_247 = tpu.memref_squeeze %dma_wait3A_246 : memref<1x4096x256xf32, #tpu.memory_space<vmem>> -> memref<4096x256xf32, #tpu.memory_space<vmem>>
    %dma_wait3A_248 = arith.constant 28672 : i32
    %dma_wait3A_249 = arith.constant 0 : i32
    %dma_wait3A_250 = tpu.memref_slice %arg0[%dma_wait3A_248, %dma_wait3A_249] : memref<32768x256xf32, #tpu.memory_space<hbm>> -> memref<4096x256xf32, #tpu.memory_space<hbm>>
    tpu.wait_dma2 semaphore(%dma_wait3A_243 : memref<!tpu.dma_semaphore, #tpu.memory_space<semaphore_mem>>) src(%dma_wait3A_250 : memref<4096x256xf32, #tpu.memory_space<hbm>>) dst(%dma_wait3A_247 : memref<4096x256xf32, #tpu.memory_space<vmem>>)
    %dma_start3A_251 = arith.constant 7 : i32
    %dma_start3A_252 = arith.constant 7 : i32
    %dma_start3A_253 = tpu.memref_slice %arg4[%dma_start3A_252] : memref<8x!tpu.dma_semaphore, #tpu.memory_space<semaphore_mem>> -> memref<1x!tpu.dma_semaphore, #tpu.memory_space<semaphore_mem>>
    %dma_start3A_254 = tpu.memref_squeeze %dma_start3A_253 : memref<1x!tpu.dma_semaphore, #tpu.memory_space<semaphore_mem>> -> memref<!tpu.dma_semaphore, #tpu.memory_space<semaphore_mem>>
    %dma_start3A_255 = arith.constant 28672 : i32
    %dma_start3A_256 = arith.constant 0 : i32
    %dma_start3A_257 = tpu.memref_slice %arg1[%dma_start3A_255, %dma_start3A_256] : memref<32768x256xf32, #tpu.memory_space<hbm>> -> memref<4096x256xf32, #tpu.memory_space<hbm>>
    %dma_start3A_258 = arith.constant 0 : i32
    %dma_start3A_259 = arith.constant 0 : i32
    %dma_start3A_260 = tpu.memref_slice %arg2[%dma_start3A_251, %dma_start3A_258, %dma_start3A_259] : memref<8x4096x256xf32, #tpu.memory_space<vmem>> -> memref<1x4096x256xf32, #tpu.memory_space<vmem>>
    %dma_start3A_261 = tpu.memref_squeeze %dma_start3A_260 : memref<1x4096x256xf32, #tpu.memory_space<vmem>> -> memref<4096x256xf32, #tpu.memory_space<vmem>>
    tpu.enqueue_dma source(%dma_start3A_261 : memref<4096x256xf32, #tpu.memory_space<vmem>>) target(%dma_start3A_257 : memref<4096x256xf32, #tpu.memory_space<hbm>>) target_semaphore(%dma_start3A_254 : memref<!tpu.dma_semaphore, #tpu.memory_space<semaphore_mem>>)
    %dma_wait3A_262 = arith.constant 0 : i32
    %dma_wait3A_263 = arith.constant 0 : i32
    %dma_wait3A_264 = tpu.memref_slice %arg4[%dma_wait3A_263] : memref<8x!tpu.dma_semaphore, #tpu.memory_space<semaphore_mem>> -> memref<1x!tpu.dma_semaphore, #tpu.memory_space<semaphore_mem>>
    %dma_wait3A_265 = tpu.memref_squeeze %dma_wait3A_264 : memref<1x!tpu.dma_semaphore, #tpu.memory_space<semaphore_mem>> -> memref<!tpu.dma_semaphore, #tpu.memory_space<semaphore_mem>>
    %dma_wait3A_266 = arith.constant 0 : i32
    %dma_wait3A_267 = arith.constant 0 : i32
    %dma_wait3A_268 = tpu.memref_slice %arg1[%dma_wait3A_266, %dma_wait3A_267] : memref<32768x256xf32, #tpu.memory_space<hbm>> -> memref<4096x256xf32, #tpu.memory_space<hbm>>
    %dma_wait3A_269 = arith.constant 0 : i32
    %dma_wait3A_270 = arith.constant 0 : i32
    %dma_wait3A_271 = tpu.memref_slice %arg2[%dma_wait3A_262, %dma_wait3A_269, %dma_wait3A_270] : memref<8x4096x256xf32, #tpu.memory_space<vmem>> -> memref<1x4096x256xf32, #tpu.memory_space<vmem>>
    %dma_wait3A_272 = tpu.memref_squeeze %dma_wait3A_271 : memref<1x4096x256xf32, #tpu.memory_space<vmem>> -> memref<4096x256xf32, #tpu.memory_space<vmem>>
    tpu.wait_dma2 semaphore(%dma_wait3A_265 : memref<!tpu.dma_semaphore, #tpu.memory_space<semaphore_mem>>) src(%dma_wait3A_272 : memref<4096x256xf32, #tpu.memory_space<vmem>>) dst(%dma_wait3A_268 : memref<4096x256xf32, #tpu.memory_space<hbm>>)
    %dma_wait3A_273 = arith.constant 1 : i32
    %dma_wait3A_274 = arith.constant 1 : i32
    %dma_wait3A_275 = tpu.memref_slice %arg4[%dma_wait3A_274] : memref<8x!tpu.dma_semaphore, #tpu.memory_space<semaphore_mem>> -> memref<1x!tpu.dma_semaphore, #tpu.memory_space<semaphore_mem>>
    %dma_wait3A_276 = tpu.memref_squeeze %dma_wait3A_275 : memref<1x!tpu.dma_semaphore, #tpu.memory_space<semaphore_mem>> -> memref<!tpu.dma_semaphore, #tpu.memory_space<semaphore_mem>>
    %dma_wait3A_277 = arith.constant 4096 : i32
    %dma_wait3A_278 = arith.constant 0 : i32
    %dma_wait3A_279 = tpu.memref_slice %arg1[%dma_wait3A_277, %dma_wait3A_278] : memref<32768x256xf32, #tpu.memory_space<hbm>> -> memref<4096x256xf32, #tpu.memory_space<hbm>>
    %dma_wait3A_280 = arith.constant 0 : i32
    %dma_wait3A_281 = arith.constant 0 : i32
    %dma_wait3A_282 = tpu.memref_slice %arg2[%dma_wait3A_273, %dma_wait3A_280, %dma_wait3A_281] : memref<8x4096x256xf32, #tpu.memory_space<vmem>> -> memref<1x4096x256xf32, #tpu.memory_space<vmem>>
    %dma_wait3A_283 = tpu.memref_squeeze %dma_wait3A_282 : memref<1x4096x256xf32, #tpu.memory_space<vmem>> -> memref<4096x256xf32, #tpu.memory_space<vmem>>
    tpu.wait_dma2 semaphore(%dma_wait3A_276 : memref<!tpu.dma_semaphore, #tpu.memory_space<semaphore_mem>>) src(%dma_wait3A_283 : memref<4096x256xf32, #tpu.memory_space<vmem>>) dst(%dma_wait3A_279 : memref<4096x256xf32, #tpu.memory_space<hbm>>)
    %dma_wait3A_284 = arith.constant 2 : i32
    %dma_wait3A_285 = arith.constant 2 : i32
    %dma_wait3A_286 = tpu.memref_slice %arg4[%dma_wait3A_285] : memref<8x!tpu.dma_semaphore, #tpu.memory_space<semaphore_mem>> -> memref<1x!tpu.dma_semaphore, #tpu.memory_space<semaphore_mem>>
    %dma_wait3A_287 = tpu.memref_squeeze %dma_wait3A_286 : memref<1x!tpu.dma_semaphore, #tpu.memory_space<semaphore_mem>> -> memref<!tpu.dma_semaphore, #tpu.memory_space<semaphore_mem>>
    %dma_wait3A_288 = arith.constant 8192 : i32
    %dma_wait3A_289 = arith.constant 0 : i32
    %dma_wait3A_290 = tpu.memref_slice %arg1[%dma_wait3A_288, %dma_wait3A_289] : memref<32768x256xf32, #tpu.memory_space<hbm>> -> memref<4096x256xf32, #tpu.memory_space<hbm>>
    %dma_wait3A_291 = arith.constant 0 : i32
    %dma_wait3A_292 = arith.constant 0 : i32
    %dma_wait3A_293 = tpu.memref_slice %arg2[%dma_wait3A_284, %dma_wait3A_291, %dma_wait3A_292] : memref<8x4096x256xf32, #tpu.memory_space<vmem>> -> memref<1x4096x256xf32, #tpu.memory_space<vmem>>
    %dma_wait3A_294 = tpu.memref_squeeze %dma_wait3A_293 : memref<1x4096x256xf32, #tpu.memory_space<vmem>> -> memref<4096x256xf32, #tpu.memory_space<vmem>>
    tpu.wait_dma2 semaphore(%dma_wait3A_287 : memref<!tpu.dma_semaphore, #tpu.memory_space<semaphore_mem>>) src(%dma_wait3A_294 : memref<4096x256xf32, #tpu.memory_space<vmem>>) dst(%dma_wait3A_290 : memref<4096x256xf32, #tpu.memory_space<hbm>>)
    %dma_wait3A_295 = arith.constant 3 : i32
    %dma_wait3A_296 = arith.constant 3 : i32
    %dma_wait3A_297 = tpu.memref_slice %arg4[%dma_wait3A_296] : memref<8x!tpu.dma_semaphore, #tpu.memory_space<semaphore_mem>> -> memref<1x!tpu.dma_semaphore, #tpu.memory_space<semaphore_mem>>
    %dma_wait3A_298 = tpu.memref_squeeze %dma_wait3A_297 : memref<1x!tpu.dma_semaphore, #tpu.memory_space<semaphore_mem>> -> memref<!tpu.dma_semaphore, #tpu.memory_space<semaphore_mem>>
    %dma_wait3A_299 = arith.constant 12288 : i32
    %dma_wait3A_300 = arith.constant 0 : i32
    %dma_wait3A_301 = tpu.memref_slice %arg1[%dma_wait3A_299, %dma_wait3A_300] : memref<32768x256xf32, #tpu.memory_space<hbm>> -> memref<4096x256xf32, #tpu.memory_space<hbm>>
    %dma_wait3A_302 = arith.constant 0 : i32
    %dma_wait3A_303 = arith.constant 0 : i32
    %dma_wait3A_304 = tpu.memref_slice %arg2[%dma_wait3A_295, %dma_wait3A_302, %dma_wait3A_303] : memref<8x4096x256xf32, #tpu.memory_space<vmem>> -> memref<1x4096x256xf32, #tpu.memory_space<vmem>>
    %dma_wait3A_305 = tpu.memref_squeeze %dma_wait3A_304 : memref<1x4096x256xf32, #tpu.memory_space<vmem>> -> memref<4096x256xf32, #tpu.memory_space<vmem>>
    tpu.wait_dma2 semaphore(%dma_wait3A_298 : memref<!tpu.dma_semaphore, #tpu.memory_space<semaphore_mem>>) src(%dma_wait3A_305 : memref<4096x256xf32, #tpu.memory_space<vmem>>) dst(%dma_wait3A_301 : memref<4096x256xf32, #tpu.memory_space<hbm>>)
    %dma_wait3A_306 = arith.constant 4 : i32
    %dma_wait3A_307 = arith.constant 4 : i32
    %dma_wait3A_308 = tpu.memref_slice %arg4[%dma_wait3A_307] : memref<8x!tpu.dma_semaphore, #tpu.memory_space<semaphore_mem>> -> memref<1x!tpu.dma_semaphore, #tpu.memory_space<semaphore_mem>>
    %dma_wait3A_309 = tpu.memref_squeeze %dma_wait3A_308 : memref<1x!tpu.dma_semaphore, #tpu.memory_space<semaphore_mem>> -> memref<!tpu.dma_semaphore, #tpu.memory_space<semaphore_mem>>
    %dma_wait3A_310 = arith.constant 16384 : i32
    %dma_wait3A_311 = arith.constant 0 : i32
    %dma_wait3A_312 = tpu.memref_slice %arg1[%dma_wait3A_310, %dma_wait3A_311] : memref<32768x256xf32, #tpu.memory_space<hbm>> -> memref<4096x256xf32, #tpu.memory_space<hbm>>
    %dma_wait3A_313 = arith.constant 0 : i32
    %dma_wait3A_314 = arith.constant 0 : i32
    %dma_wait3A_315 = tpu.memref_slice %arg2[%dma_wait3A_306, %dma_wait3A_313, %dma_wait3A_314] : memref<8x4096x256xf32, #tpu.memory_space<vmem>> -> memref<1x4096x256xf32, #tpu.memory_space<vmem>>
    %dma_wait3A_316 = tpu.memref_squeeze %dma_wait3A_315 : memref<1x4096x256xf32, #tpu.memory_space<vmem>> -> memref<4096x256xf32, #tpu.memory_space<vmem>>
    tpu.wait_dma2 semaphore(%dma_wait3A_309 : memref<!tpu.dma_semaphore, #tpu.memory_space<semaphore_mem>>) src(%dma_wait3A_316 : memref<4096x256xf32, #tpu.memory_space<vmem>>) dst(%dma_wait3A_312 : memref<4096x256xf32, #tpu.memory_space<hbm>>)
    %dma_wait3A_317 = arith.constant 5 : i32
    %dma_wait3A_318 = arith.constant 5 : i32
    %dma_wait3A_319 = tpu.memref_slice %arg4[%dma_wait3A_318] : memref<8x!tpu.dma_semaphore, #tpu.memory_space<semaphore_mem>> -> memref<1x!tpu.dma_semaphore, #tpu.memory_space<semaphore_mem>>
    %dma_wait3A_320 = tpu.memref_squeeze %dma_wait3A_319 : memref<1x!tpu.dma_semaphore, #tpu.memory_space<semaphore_mem>> -> memref<!tpu.dma_semaphore, #tpu.memory_space<semaphore_mem>>
    %dma_wait3A_321 = arith.constant 20480 : i32
    %dma_wait3A_322 = arith.constant 0 : i32
    %dma_wait3A_323 = tpu.memref_slice %arg1[%dma_wait3A_321, %dma_wait3A_322] : memref<32768x256xf32, #tpu.memory_space<hbm>> -> memref<4096x256xf32, #tpu.memory_space<hbm>>
    %dma_wait3A_324 = arith.constant 0 : i32
    %dma_wait3A_325 = arith.constant 0 : i32
    %dma_wait3A_326 = tpu.memref_slice %arg2[%dma_wait3A_317, %dma_wait3A_324, %dma_wait3A_325] : memref<8x4096x256xf32, #tpu.memory_space<vmem>> -> memref<1x4096x256xf32, #tpu.memory_space<vmem>>
    %dma_wait3A_327 = tpu.memref_squeeze %dma_wait3A_326 : memref<1x4096x256xf32, #tpu.memory_space<vmem>> -> memref<4096x256xf32, #tpu.memory_space<vmem>>
    tpu.wait_dma2 semaphore(%dma_wait3A_320 : memref<!tpu.dma_semaphore, #tpu.memory_space<semaphore_mem>>) src(%dma_wait3A_327 : memref<4096x256xf32, #tpu.memory_space<vmem>>) dst(%dma_wait3A_323 : memref<4096x256xf32, #tpu.memory_space<hbm>>)
    %dma_wait3A_328 = arith.constant 6 : i32
    %dma_wait3A_329 = arith.constant 6 : i32
    %dma_wait3A_330 = tpu.memref_slice %arg4[%dma_wait3A_329] : memref<8x!tpu.dma_semaphore, #tpu.memory_space<semaphore_mem>> -> memref<1x!tpu.dma_semaphore, #tpu.memory_space<semaphore_mem>>
    %dma_wait3A_331 = tpu.memref_squeeze %dma_wait3A_330 : memref<1x!tpu.dma_semaphore, #tpu.memory_space<semaphore_mem>> -> memref<!tpu.dma_semaphore, #tpu.memory_space<semaphore_mem>>
    %dma_wait3A_332 = arith.constant 24576 : i32
    %dma_wait3A_333 = arith.constant 0 : i32
    %dma_wait3A_334 = tpu.memref_slice %arg1[%dma_wait3A_332, %dma_wait3A_333] : memref<32768x256xf32, #tpu.memory_space<hbm>> -> memref<4096x256xf32, #tpu.memory_space<hbm>>
    %dma_wait3A_335 = arith.constant 0 : i32
    %dma_wait3A_336 = arith.constant 0 : i32
    %dma_wait3A_337 = tpu.memref_slice %arg2[%dma_wait3A_328, %dma_wait3A_335, %dma_wait3A_336] : memref<8x4096x256xf32, #tpu.memory_space<vmem>> -> memref<1x4096x256xf32, #tpu.memory_space<vmem>>
    %dma_wait3A_338 = tpu.memref_squeeze %dma_wait3A_337 : memref<1x4096x256xf32, #tpu.memory_space<vmem>> -> memref<4096x256xf32, #tpu.memory_space<vmem>>
    tpu.wait_dma2 semaphore(%dma_wait3A_331 : memref<!tpu.dma_semaphore, #tpu.memory_space<semaphore_mem>>) src(%dma_wait3A_338 : memref<4096x256xf32, #tpu.memory_space<vmem>>) dst(%dma_wait3A_334 : memref<4096x256xf32, #tpu.memory_space<hbm>>)
    %dma_wait3A_339 = arith.constant 7 : i32
    %dma_wait3A_340 = arith.constant 7 : i32
    %dma_wait3A_341 = tpu.memref_slice %arg4[%dma_wait3A_340] : memref<8x!tpu.dma_semaphore, #tpu.memory_space<semaphore_mem>> -> memref<1x!tpu.dma_semaphore, #tpu.memory_space<semaphore_mem>>
    %dma_wait3A_342 = tpu.memref_squeeze %dma_wait3A_341 : memref<1x!tpu.dma_semaphore, #tpu.memory_space<semaphore_mem>> -> memref<!tpu.dma_semaphore, #tpu.memory_space<semaphore_mem>>
    %dma_wait3A_343 = arith.constant 28672 : i32
    %dma_wait3A_344 = arith.constant 0 : i32
    %dma_wait3A_345 = tpu.memref_slice %arg1[%dma_wait3A_343, %dma_wait3A_344] : memref<32768x256xf32, #tpu.memory_space<hbm>> -> memref<4096x256xf32, #tpu.memory_space<hbm>>
    %dma_wait3A_346 = arith.constant 0 : i32
    %dma_wait3A_347 = arith.constant 0 : i32
    %dma_wait3A_348 = tpu.memref_slice %arg2[%dma_wait3A_339, %dma_wait3A_346, %dma_wait3A_347] : memref<8x4096x256xf32, #tpu.memory_space<vmem>> -> memref<1x4096x256xf32, #tpu.memory_space<vmem>>
    %dma_wait3A_349 = tpu.memref_squeeze %dma_wait3A_348 : memref<1x4096x256xf32, #tpu.memory_space<vmem>> -> memref<4096x256xf32, #tpu.memory_space<vmem>>
    tpu.wait_dma2 semaphore(%dma_wait3A_342 : memref<!tpu.dma_semaphore, #tpu.memory_space<semaphore_mem>>) src(%dma_wait3A_349 : memref<4096x256xf32, #tpu.memory_space<vmem>>) dst(%dma_wait3A_345 : memref<4096x256xf32, #tpu.memory_space<hbm>>)
    return
  }
}

</mosaic_0001>

<sc_bundles>
// kernel: kernel.4.cloned.1.call-start
scs
__scs_entry_jumppad:
0x0: {  	(pc) =	sbr.rel $0x88, $3  }
0x1: {  	(tag) =	ssettag $0x0;
	lr =	simm.s32 $0x1  }
0x2: {  	[smem:$0x3F9F] =	sst lr;
	_ =	strace $0xD0000000  }
0x3: {  	_ = 	snop  }
0x4: {  	_ = 	snop  }
0x5: {  	_ = 	snop  }
0x6: {  	_ = 	snop  }
0x7: {  	_ = 	snop  }
__scs_overlays_trampoline_lowered:
0x8: {  	[smem:$0x3FAE] =	sst s0  }
0x9: {  	[smem:$0x3FAF] =	sst s1  }
0xa: {  	[smem:$0x3FB0] =	sst s2  }
0xb: {  	[smem:$0x3FB1] =	sst s3  }
0xc: {  	[smem:$0x3FB2] =	sst s4  }
0xd: {  	[smem:$0x3FB3] =	sst s5  }
0xe: {  	[smem:$0x3FB4] =	sst s6  }
0xf: {  	[smem:$0x3FB5] =	sst s7  }
0x10: {  	[smem:$0x3FB6] =	sst s8  }
0x11: {  	[smem:$0x3FB7] =	sst s9;
	s0 =	simm.s32 @!p0 $0x0  }
0x12: {  	s1 =	sld [smem:$0x3F9D];
	s0 =	simm.s32 @p0 $0x1  }
0x13: {  	[smem:$0x3FB8] =	sst s0;
	s0 =	simm.s32 @!p1 $0x0  }
0x14: {  	s2 =	sld [smem:$0x3F9C];
	s0 =	simm.s32 @p1 $0x1  }
0x15: {  	[smem:$0x3FB9] =	sst s0;
	s0 =	simm.s32 @!p2 $0x0  }
0x16: {  	s3 =	sld [smem:$0x3FDB];
	s0 =	simm.s32 @p2 $0x1  }
0x17: {  	s4 =	simm.s32 $0x1BF5;
	[smem:$0x3FBB] =	sst s0  }
0x18: {  	s0 =	sld [smem:$0x3F9E];
	_ =	swait.ge [sflag:s4], $0x0  }
0x19: {  	s7 =	sld [smem:$0x3F9F]  }
0x1a: {  	s8 =	sadd.s32 $0xFFFFE003, lr  }
0x1b: {  	s9 =	sadd.s32 $0xFFFFFEF7, lr;
	s5 =	simm.s32 $0xFFFFFFFF;
	p2 =	slt.u32 s8, $0xFFFFF086  }
0x1c: {  	p1 =	slt.u32 s9, $0xF7A;
	s5 =	simm.s32 @!p2 $0x0  }
0x1d: {  	s5 =	simm.s32 @p1 $0x1;
	p0 =	seq.s32 s7, s2  }
0x1e: {  	s7 =	smul.u32 @!p0 $0xF7A, s2;
	p2 =	seq.s32 @!p0 s5, $0x0  }
0x1f: {  	s9 =	smul.u32 $0xF7A, s1;
	s8 =	simm.s32 @!p0 $0x1BF5;
	p2 =	por !p2, p0  }
0x20: {  	[sflag:s8] =	ssyncset.s32 @!p0 $0xFFFFF086;
	s6 =	sadd.s32 @!p0 s3, s7;
	s7 =	simm.s32 @!p0 $0x108  }
0x21: {  	s3 =	sadd.s32 s3, s9;
	s6 =	sadd.s32 @!p0 $0x88, s6;
	s7 =	simm.s32 @p2 $0x1082  }
0x22: {  	[simem:s7], [sflag:s8] =	dma.local @!p0 [hbm:s6], $0xF7A  }
0x23: {  	s9 =	sor.u32 $0xD0000000, s2;
	s6 =	simm.s32 $0x108;
	_ =	swait.ge @!p0 [sflag:s8], $0x0  }
0x24: {  	s3 =	sadd.s32 $0x88, s3;
	s6 =	simm.s32 @!p1 $0x1082;
	[sflag:s4] =	ssyncset.s32 $0xFFFFF086  }
0x25: {  	[simem:s6], [sflag:s4] =	dma.local [hbm:s3], $0xF7A  }
0x26: {  	[smem:$0x3F9F] =	sst s1;
	(tag) =	ssettag s2;
	_ =	strace s9  }
0x27: {  	s1 =	sld [smem:$0x3FAF]  }
0x28: {  	s2 =	sld [smem:$0x3FB0]  }
0x29: {  	s4 =	sld [smem:$0x3FB2]  }
0x2a: {  	p0 =	seq.s32 s5, $0x0;
	s5 =	sld [smem:$0x3FB3]  }
0x2b: {  	s6 =	sld [smem:$0x3FB4]  }
0x2c: {  	s7 =	sld [smem:$0x3FB5]  }
0x2d: {  	s3 =	simm.s32 $0x108;
	s8 =	sld [smem:$0x3FB6]  }
0x2e: {  	s3 =	simm.s32 @!p0 $0x1082;
	s9 =	sld [smem:$0x3FB7]  }
0x2f: {  	lr =	sadd.s32 s0, s3;
	s0 =	sld [smem:$0x3FAE]  }
0x30: {  	s3 =	sld [smem:$0x3FB1]  }
0x31: {  	[smem:$0x3FBA] =	sst s10  }
0x32: {  	s10 =	sld [smem:$0x3FB8];
	_ =	sdelay $0x3  }
0x33: {  	p0 =	seq.s32 s10, $0x1;
	s10 =	sld [smem:$0x3FBA];
	_ =	sdelay $0x3  }
0x34: {  	[smem:$0x3FBA] =	sst s10  }
0x35: {  	s10 =	sld [smem:$0x3FB9];
	_ =	sdelay $0x3  }
0x36: {  	p1 =	seq.s32 s10, $0x1;
	s10 =	sld [smem:$0x3FBA];
	_ =	sdelay $0x3  }
0x37: {  	[smem:$0x3FBA] =	sst s10  }
0x38: {  	s10 =	sld [smem:$0x3FBB]  }
0x39: {  	_ = 	snop;
	(pc) =	sbr.ind lr, $3  }
0x3a: {  	_ = 	snop  }
0x3b: {  	_ = 	snop  }
0x3c: {  	p2 =	seq.s32 s10, $0x1;
	s10 =	sld [smem:$0x3FBA]  }
0x3d: {  	_ =	shalt  }
0x3e: {  	_ =	shalt  }
0x3f: {  	_ =	shalt  }
0x40: {  	_ =	shalt  }
0x41: {  	_ =	shalt  }
0x42: {  	_ =	shalt  }
0x43: {  	_ =	shalt  }
0x44: {  	_ =	shalt  }
0x45: {  	_ =	shalt  }
0x46: {  	_ =	shalt  }
0x47: {  	_ =	shalt  }
0x48: {  	_ =	shalt  }
0x49: {  	_ =	shalt  }
0x4a: {  	_ =	shalt  }
0x4b: {  	_ =	shalt  }
0x4c: {  	_ =	shalt  }
0x4d: {  	_ =	shalt  }
0x4e: {  	_ =	shalt  }
0x4f: {  	_ =	shalt  }
0x50: {  	_ =	shalt  }
0x51: {  	_ =	shalt  }
0x52: {  	_ =	shalt  }
0x53: {  	_ =	shalt  }
0x54: {  	_ =	shalt  }
0x55: {  	_ =	shalt  }
0x56: {  	_ =	shalt  }
0x57: {  	_ =	shalt  }
0x58: {  	_ =	shalt  }
0x59: {  	_ =	shalt  }
0x5a: {  	_ =	shalt  }
0x5b: {  	_ =	shalt  }
0x5c: {  	_ =	shalt  }
0x5d: {  	_ =	shalt  }
0x5e: {  	_ =	shalt  }
0x5f: {  	_ =	shalt  }
0x60: {  	_ =	shalt  }
0x61: {  	_ =	shalt  }
0x62: {  	_ =	shalt  }
0x63: {  	_ =	shalt  }
0x64: {  	_ =	shalt  }
0x65: {  	_ =	shalt  }
0x66: {  	_ =	shalt  }
0x67: {  	_ =	shalt  }
0x68: {  	_ =	shalt  }
0x69: {  	_ =	shalt  }
0x6a: {  	_ =	shalt  }
0x6b: {  	_ =	shalt  }
0x6c: {  	_ =	shalt  }
0x6d: {  	_ =	shalt  }
0x6e: {  	_ =	shalt  }
0x6f: {  	_ =	shalt  }
0x70: {  	_ =	shalt  }
0x71: {  	_ =	shalt  }
0x72: {  	_ =	shalt  }
0x73: {  	_ =	shalt  }
0x74: {  	_ =	shalt  }
0x75: {  	_ =	shalt  }
0x76: {  	_ =	shalt  }
0x77: {  	_ =	shalt  }
0x78: {  	_ =	shalt  }
0x79: {  	_ =	shalt  }
0x7a: {  	_ =	shalt  }
0x7b: {  	_ =	shalt  }
0x7c: {  	_ =	shalt  }
0x7d: {  	_ =	shalt  }
0x7e: {  	_ =	shalt  }
0x7f: {  	_ =	shalt  }
0x80: {  	_ =	shalt  }
0x81: {  	_ =	shalt  }
0x82: {  	_ =	shalt  }
0x83: {  	_ =	shalt  }
0x84: {  	_ =	shalt  }
0x85: {  	_ =	shalt  }
0x86: {  	_ =	shalt  }
0x87: {  	_ =	shalt  }
.Lfunc_end0:
.L_simem_size_0:
called_computation_lowered:
.L_overlay_start_0:
0x88: {  	s0 =	sld [smem:$0x3FD9]  }
0x89: {  	s1 =	sld [smem:$0x3FFE];
	_ =	sdelay $0x3  }
0x8a: {  	s0 =	sadd.s32 s1, s0  }
0x8b: {  	[smem:$0x3FC6] =	sst s0  }
0x8c: {  	_ = 	snop  }
0x8d: {  	s0 =	sld [smem:$0x3FC8];
	(tm) =	ssettm $0x1  }
0x8e: {  	s16 =	sld [smem:$0x3FFB];
	_ =	sdelay $0x3  }
0x8f: {  	_ =	strace s16  }
0x90: {  	s1 =	sld [smem:$0x3FFC];
	_ =	sdelay $0x3  }
0x91: {  	_ =	strace s1  }
0x92: {  	s1 =	sld [smem:$0x3FFD];
	_ =	sdelay $0x3  }
0x93: {  	_ =	strace s1  }
0x94: {  	_ =	strace $0x8FFFFFFF  }
0x95: {  	s17 =	sld [smem:$0x3FDB];
	_ =	sdelay $0x1  }
0x96: {  	s2 =	simm.s32 $_scs_section_size  }
0x97: {  	s3 =	simm.s32 $_size__tile_overlayer_lowered;
	s4 =	simm.s32 $_tile_overlayer_lowered  }
0x98: {  	s20 =	simm.s32 $0x1BFF;
	s19 =	sshll.u32 s4, $0x1;
	s1 =	sadd.s32 s2, s17  }
0x99: {  	s5 =	simm.s32 $0x0;
	s18 =	sshll.u32 s3, $0x1;
	s3 =	sadd.s32 s19, s1  }
0x9a: {  	[timem:s5], [sflag:s20] =	dma.local [hbm:s3], s18  }
0x9b: {  	_ =	swait.ge [sflag:s20], s18  }
0x9c: {  	s2 =	ssub.s32 $0x0, s18;
	[sflag:s20] =	ssyncset.done $0x0  }
0x9d: {  	[sflag:s20] =	ssyncadd.s32 s2;
	_ =	sdelay $0x1  }
0x9e: {  	s21 =	simm.s32 $0x1B8B  }
0x9f: {  	_ =	swait.ge [sflag:s21], $0x1  }
0xa0: {  	[sflag:s21] =	ssyncset.done $0x0  }
0xa1: {  	s23 =	simm.s32 $0x1B8E;
	s22 =	sld [smem:$0x3FFE];
	[sflag:s21] =	ssyncadd.s32 $0xFFFFFFFF  }
0xa2: {  	s24 =	simm.s32 $execute0_lowered;
	[smem:$0x3FD2] =	sst s23  }
0xa3: {  	s3 =	sshll.u32 s24, $0x1;
	_ =	strace $0x80000046;
	[dreg:$0x1] =	wrdreg $0xFFFFFFFF  }
0xa4: {  	s25 =	simm.s32 $_size_execute0_lowered;
	s1 =	sadd.s32 s1, s3;
	[dreg:$0x0] =	wrdreg $0x0  }
0xa5: {  	s3 =	sshll.u32 s25, $0x1;
	[dreg:$0x2] =	wrdreg s1  }
0xa6: {  	[dreg:$0x3] =	wrdreg s3  }
0xa7: {  	[dreg:$0x4] =	wrdreg $0xC0  }
0xa8: {  	_ =	task [dreg:s5], $0x5FFFF  }
0xa9: {  	[dreg:$0x1] =	wrdreg $0xFFFFFFFF  }
0xaa: {  	[dreg:$0x0] =	wrdreg $0x60  }
0xab: {  	[dreg:$0x2] =	wrdreg s0  }
0xac: {  	[dreg:$0x3] =	wrdreg s22  }
0xad: {  	[dreg:$0x4] =	wrdreg $0x9  }
0xae: {  	_ =	task.clear_ibuf [dreg:s5], $0x5FFFF;
	_ =	strace $0x90000046  }
0xaf: {  	s26 =	simm.s32 $0x9;
	_ =	strace $0x80000048  }
0xb0: {  	_ =	swait.ge [sflag:s26], $0x1  }
0xb1: {  	[sflag:s26] =	ssyncadd.s32 $0xFFFFFFFF  }
0xb2: {  	_ =	strace $0x90000048  }
0xb3: {  	_ =	sfence  }
0xb4: {  	s28 =	sld [smem:$0x0];
	_ =	sdelay $0x1  }
0xb5: {  	s29 =	srdreg.scid  }
0xb6: {  	s30 =	sshll.u32 s29, $0xD;
	s31 =	sshrl.u32 s29, $0x2  }
0xb7: {  	s2 =	sand.u32 $0x4000, s30;
	s1 =	sand.u32 $0x1, s29;
	s0 =	sadd.s32 s31, s28  }
0xb8: {  	s1 =	sor.u32 s2, s1;
	s0 =	sshll.u32 s0, $0x11  }
0xb9: {  	s0 =	sor.u32 s0, s1  }
0xba: {  	s0 =	sadd.s32 $0x8F2B, s0  }
0xbb: {  	[sflag:s0] =	ssyncadd.remote.s32 $0x1  }
0xbc: {  	_ =	sfence.sel $0xFFFF  }
0xbd: {  	[dreg:$0x0] =	wrdreg $0xFFFFFFFF;
	(pc) =	sbr.abs _section_cstart, $3  }
0xbe: {  	[dreg:$0x1] =	wrdreg $0xFFFFFFFF  }
0xbf: {  	_ =	task.clear_ibuf [dreg:s5], $0x2FFFF;
	_ =	strace $0x9FFFFFFF  }
0xc0: {  	(tm) =	ssettm $0x7FFFFFFF  }
0xc1: {  	_ =	shalt  }
tec
execute0_lowered:
.L_overlay_start_1:
0x0: {  	(tag) =	ssettag $0x1  }
0x1: {  	s1 =	rddreg [dreg:$0x0]  }
0x2: {  	s2 =	rddreg [dreg:$0x1];
	s3 =	simm.s32 $0x0  }
0x3: {  	[smem:$0x7FF] =	sst s3  }
0x4: {  	s0 =	rddreg [dreg:$0x2];
	s30 =	simm.s32 $0x1;
	_ =	strace $0x80000047  }
0x5: {  	[tilespmem:s3], [sflag:$0x1] =	stream.linear.gather [hbm4b:s1+s3], $0x80, $0x38;
	[tilespmem:$0x2080] =	vst v63  }
0x6: {  	_ =	swait.ge [sflag:s30], $0x80  }
0x7: {  	[sflag:s30] =	ssyncset.done $0x0  }
0x8: {  	[sflag:s30] =	ssyncadd.s32 $0xFFFFFF80  }
0x9: {  	v13 =	vld [tilespmem:$0x0];
	_ =	sdelay $0x3  }
0xa: {  	v0 =	vimm.s32 $0x0  }
0xb: {  	v1 =	vimm.s32 $0x1;
	v0 =	vperm.xlane v13, v0  }
0xc: {  	v1 =	vperm.xlane v13, v1  }
0xd: {  	v2 =	vimm.s32 $0x2;
	v0 =	vadd.s32 $0xFFFFFFFF, v0  }
0xe: {  	v2 =	vperm.xlane v13, v2;
	v1 =	vadd.s32 v0, v1  }
0xf: {  	v3 =	vimm.s32 $0x3;
	v1 =	vadd.s32 $0xFFFFFFFF, v1  }
0x10: {  	v3 =	vperm.xlane v13, v3;
	v2 =	vadd.s32 v1, v2  }
0x11: {  	v4 =	vimm.s32 $0x4;
	v2 =	vadd.s32 $0xFFFFFFFF, v2  }
0x12: {  	v4 =	vperm.xlane v13, v4;
	v3 =	vadd.s32 v2, v3  }
0x13: {  	v5 =	vimm.s32 $0x5;
	v3 =	vadd.s32 $0xFFFFFFFF, v3  }
0x14: {  	v5 =	vperm.xlane v13, v5;
	v4 =	vadd.s32 v3, v4  }
0x15: {  	v6 =	vimm.s32 $0x6;
	v4 =	vadd.s32 $0xFFFFFFFF, v4  }
0x16: {  	v6 =	vperm.xlane v13, v6;
	v5 =	vadd.s32 v4, v5  }
0x17: {  	v7 =	vimm.s32 $0x7;
	v5 =	vadd.s32 $0xFFFFFFFF, v5  }
0x18: {  	v7 =	vperm.xlane v13, v7;
	v6 =	vadd.s32 v5, v6  }
0x19: {  	v8 =	vimm.s32 $0x8;
	v6 =	vadd.s32 $0xFFFFFFFF, v6  }
0x1a: {  	v8 =	vperm.xlane v13, v8;
	v7 =	vadd.s32 v6, v7  }
0x1b: {  	v9 =	vimm.s32 $0x9;
	v10 =	vimm.s32 $0xA;
	v7 =	vadd.s32 $0xFFFFFFFF, v7  }
0x1c: {  	v11 =	vimm.s32 $0xB;
	v9 =	vperm.xlane v13, v9;
	v8 =	vadd.s32 v7, v8  }
0x1d: {  	v12 =	vimm.s32 $0xC;
	v14 =	vimm.s32 $0xD;
	v8 =	vadd.s32 $0xFFFFFFFF, v8  }
0x1e: {  	v15 =	vimm.s32 $0xE;
	v10 =	vperm.xlane v13, v10;
	v9 =	vadd.s32 v8, v9  }
0x1f: {  	v16 =	vimm.s32 $0x15141413;
	v17 =	vimm.s32 $0x17161615;
	v9 =	vadd.s32 $0xFFFFFFFF, v9  }
0x20: {  	vm0 =	vcmask $0x1F10;
	v11 =	vperm.xlane v13, v11;
	v10 =	vadd.s32 v9, v10  }
0x21: {  	v19 =	vimm.s32 $0x13121211;
	v20 =	vimm.s32 $0x14151314;
	v10 =	vadd.s32 $0xFFFFFFFF, v10  }
0x22: {  	v22 =	vimm.s32 $0x10110F10;
	v12 =	vperm.xlane v13, v12;
	v11 =	vadd.s32 v10, v11  }
0x23: {  	v23 =	vimm.s32 $0x12131112;
	v16 =	vunpack.c.0.s8.s32 v16;
	v11 =	vadd.s32 $0xFFFFFFFF, v11  }
0x24: {  	v18 =	vunpack.c.0.s8.s32 v17;
	v14 =	vperm.xlane v13, v14;
	v12 =	vadd.s32 v11, v12  }
0x25: {  	v17 =	vimm.s32 $0x1110100F;
	v19 =	vunpack.c.0.s8.s32 v19;
	v12 =	vadd.s32 $0xFFFFFFFF, v12  }
0x26: {  	v20 =	vunpack.c.0.s8.s32 v20;
	v15 =	vperm.xlane v13, v15;
	v14 =	vadd.s32 v12, v14  }
0x27: {  	v22 =	vunpack.c.0.s8.s32 v22;
	v23 =	vunpack.c.0.s8.s32 v23;
	v13 =	vadd.s32 $0xFFFFFFFF, v14  }
0x28: {  	v21 =	vunpack.c.0.s8.s32 v17;
	v17 =	vimm.s32 $0x16171516;
	s1 =	stileid.u32;
	v14 =	vadd.s32 v13, v15  }
0x29: {  	v24 =	vunpack.c.0.s8.s32 v17;
	s31 =	sshll.u32 s1, $0xB;
	v15 =	vlaneseq.u32;
	v14 =	vadd.s32 $0xFFFFFFFF, v14  }
0x2a: {  	s3 =	sor.u32 $0x8, s31;
	v17 =	vshrl.u32 v15, $0x1;
	v15 =	vsel vm0, v18, v16;
	v16 =	vsel vm0, v19, v21  }
0x2b: {  	s4 =	sadd.s32 $0xFFFFFFF8, s3;
	v18 =	vsel vm0, v24, v20;
	v19 =	vsel vm0, v23, v22;
	v20 =	vor.u32 s3, v17  }
0x2c: {  	v16 =	vcombine.low v16, v15;
	v15 =	vcombine.low v19, v18;
	v32 =	vor.u32 s4, v17  }
0x2d: {  	v18 =	vsub.s32 v20, v13;
	v19 =	vsub.s32 v20, v14;
	v21 =	vsub.s32 v20, v11  }
0x2e: {  	v22 =	vsub.s32 v20, v12;
	v23 =	vsub.s32 v20, v8;
	v41 =	vsub.s32 v20, v9  }
0x2f: {  	v25 =	vsub.s32 v20, v10;
	v26 =	vsub.s32 v20, v5;
	v27 =	vsub.s32 v20, v6  }
0x30: {  	v28 =	vsub.s32 v20, v7;
	v29 =	vsub.s32 v20, v2;
	v30 =	vsub.s32 v20, v3  }
0x31: {  	v31 =	vsub.s32 v20, v4;
	v33 =	vsub.s32 v20, v0;
	v20 =	vsub.s32 v20, v1  }
0x32: {  	v34 =	vsub.s32 v32, v13;
	v35 =	vsub.s32 v32, v14;
	v36 =	vsub.s32 v32, v11  }
0x33: {  	v37 =	vsub.s32 v32, v12;
	v38 =	vsub.s32 v32, v10;
	v39 =	vsub.s32 v32, v8  }
0x34: {  	v40 =	vsub.s32 v32, v9;
	v42 =	vsub.s32 v32, v5;
	v43 =	vsub.s32 v32, v6  }
0x35: {  	v44 =	vsub.s32 v32, v4;
	v45 =	vsub.s32 v32, v1;
	v46 =	vsub.s32 v32, v3  }
0x36: {  	v47 =	vsub.s32 v32, v0;
	v22 =	vshra.s32 v22, $0x1F;
	v21 =	vshra.s32 v21, $0x1F  }
0x37: {  	v24 =	vshra.s32 v41, $0x1F;
	v25 =	vshra.s32 v25, $0x1F;
	v23 =	vshra.s32 v23, $0x1F  }
0x38: {  	v41 =	vsub.s32 v32, v7;
	v27 =	vshra.s32 v27, $0x1F;
	v28 =	vshra.s32 v28, $0x1F  }
0x39: {  	v26 =	vshra.s32 v26, $0x1F;
	v30 =	vshra.s32 v30, $0x1F;
	v31 =	vshra.s32 v31, $0x1F  }
0x3a: {  	v29 =	vshra.s32 v29, $0x1F;
	v45 =	vshra.s32 v45, $0x1F;
	v32 =	vsub.s32 v32, v2  }
0x3b: {  	v47 =	vshra.s32 v47, $0x1F;
	v33 =	vshra.s32 v33, $0x1F;
	v20 =	vshra.s32 v20, $0x1F  }
0x3c: {  	v46 =	vshra.s32 v46, $0x1F;
	v44 =	vshra.s32 v44, $0x1F;
	v42 =	vshra.s32 v42, $0x1F  }
0x3d: {  	v48 =	vshra.s32 v38, $0x1F;
	v49 =	vshra.s32 v36, $0x1F;
	v50 =	vshra.s32 v34, $0x1F  }
0x3e: {  	v51 =	vshra.s32 v35, $0x1F;
	v18 =	vshra.s32 v18, $0x1F;
	v19 =	vshra.s32 v19, $0x1F  }
0x3f: {  	s5 =	sadd.s32 $0x10, s3;
	v45 =	vadd.s32 s4, v45;
	v32 =	vshra.s32 v32, $0x1F;
	v20 =	vadd.s32 s3, v20  }
0x40: {  	s3 =	sadd.s32 $0xFFFFFFF8, s5;
	v45 =	vadd.s32 v47, v45;
	v20 =	vadd.s32 v33, v20;
	v47 =	vshra.s32 v40, $0x1F  }
0x41: {  	v61 =	vor.u32 s3, v17;
	v32 =	vadd.s32 v32, v45;
	v20 =	vadd.s32 v29, v20  }
0x42: {  	v45 =	vshra.s32 v41, $0x1F;
	v38 =	vsub.s32 v61, v13;
	v63 =	vsub.s32 v61, v11  }
0x43: {  	v41 =	vsub.s32 v61, v12;
	v32 =	vadd.s32 v46, v32;
	v20 =	vadd.s32 v30, v20  }
0x44: {  	v36 =	vsub.s32 v61, v4;
	v32 =	vadd.s32 v44, v32;
	v20 =	vadd.s32 v31, v20  }
0x45: {  	v44 =	vshra.s32 v43, $0x1F;
	v32 =	vadd.s32 v42, v32;
	v20 =	vadd.s32 v26, v20  }
0x46: {  	v46 =	vshra.s32 v39, $0x1F;
	v29 =	vadd.s32 v44, v32;
	v20 =	vadd.s32 v27, v20  }
0x47: {  	v39 =	vsub.s32 v61, v14;
	v29 =	vadd.s32 v45, v29;
	v20 =	vadd.s32 v28, v20  }
0x48: {  	v36 =	vshra.s32 v36, $0x1F;
	v29 =	vadd.s32 v46, v29;
	v20 =	vadd.s32 v23, v20  }
0x49: {  	v63 =	vshra.s32 v63, $0x1F;
	v26 =	vadd.s32 v47, v29;
	v20 =	vadd.s32 v24, v20  }
0x4a: {  	v23 =	vshra.s32 v37, $0x1F;
	v26 =	vadd.s32 v48, v26;
	v20 =	vadd.s32 v25, v20  }
0x4b: {  	v48 =	vsub.s32 v61, v10;
	v26 =	vadd.s32 v49, v26;
	v20 =	vadd.s32 v21, v20  }
0x4c: {  	v49 =	vsub.s32 v61, v8;
	v23 =	vadd.s32 v23, v26;
	v20 =	vadd.s32 v22, v20  }
0x4d: {  	v23 =	vadd.s32 v50, v23;
	v18 =	vadd.s32 v18, v20;
	v20 =	vor.u32 s5, v17  }
0x4e: {  	v50 =	vsub.s32 v61, v9;
	v21 =	vadd.s32 v51, v23;
	v18 =	vadd.s32 v19, v18  }
0x4f: {  	v19 =	vsub.s32 v20, v13;
	v23 =	vsub.s32 v20, v14;
	v52 =	vsub.s32 v20, v11  }
0x50: {  	v53 =	vsub.s32 v20, v12;
	v54 =	vsub.s32 v20, v9;
	v55 =	vsub.s32 v20, v10  }
0x51: {  	v30 =	vsub.s32 v20, v5;
	v56 =	vsub.s32 v20, v6;
	v57 =	vsub.s32 v20, v7  }
0x52: {  	v58 =	vsub.s32 v20, v2;
	v59 =	vsub.s32 v20, v3;
	v60 =	vsub.s32 v20, v4  }
0x53: {  	v62 =	vsub.s32 v20, v0;
	v51 =	vsub.s32 v61, v1;
	v22 =	vadd.s32 v16, v21  }
0x54: {  	v24 =	vadd.s32 v16, v18;
	v27 =	vadd.s32 v15, v18;
	v18 =	vsub.s32 v20, v8  }
0x55: {  	v20 =	vsub.s32 v20, v1;
	v26 =	vshra.s32 v53, $0x1F;
	v25 =	vshra.s32 v52, $0x1F  }
0x56: {  	v28 =	vshra.s32 v54, $0x1F;
	v29 =	vshra.s32 v55, $0x1F;
	v52 =	vsub.s32 v61, v0  }
0x57: {  	v45 =	vshra.s32 v51, $0x1F;
	v53 =	vsub.s32 v61, v2;
	v54 =	vsub.s32 v61, v7  }
0x58: {  	v31 =	vshra.s32 v56, $0x1F;
	v55 =	vsub.s32 v61, v3;
	v32 =	vshra.s32 v57, $0x1F  }
0x59: {  	v37 =	vshra.s32 v62, $0x1F;
	v56 =	vsub.s32 v61, v5;
	v57 =	vsub.s32 v61, v6  }
0x5a: {  	v30 =	vshra.s32 v30, $0x1F;
	v34 =	vshra.s32 v59, $0x1F;
	v35 =	vshra.s32 v60, $0x1F  }
0x5b: {  	v33 =	vshra.s32 v58, $0x1F;
	v46 =	vshra.s32 v52, $0x1F;
	v45 =	vadd.s32 s3, v45  }
0x5c: {  	v47 =	vshra.s32 v53, $0x1F;
	v20 =	vshra.s32 v20, $0x1F;
	v45 =	vadd.s32 v46, v45  }
0x5d: {  	v20 =	vadd.s32 s5, v20;
	v45 =	vadd.s32 v47, v45;
	v47 =	vshra.s32 v55, $0x1F  }
0x5e: {  	v60 =	vshra.s32 v49, $0x1F;
	v20 =	vadd.s32 v37, v20;
	v45 =	vadd.s32 v47, v45  }
0x5f: {  	v47 =	vshra.s32 v56, $0x1F;
	v20 =	vadd.s32 v33, v20;
	v36 =	vadd.s32 v36, v45  }
0x60: {  	v58 =	vshra.s32 v57, $0x1F;
	v20 =	vadd.s32 v34, v20;
	v36 =	vadd.s32 v47, v36  }
0x61: {  	v59 =	vshra.s32 v54, $0x1F;
	v20 =	vadd.s32 v35, v20;
	v33 =	vadd.s32 v58, v36  }
0x62: {  	v61 =	vshra.s32 v50, $0x1F;
	v20 =	vadd.s32 v30, v20;
	v33 =	vadd.s32 v59, v33  }
0x63: {  	v62 =	vshra.s32 v48, $0x1F;
	v20 =	vadd.s32 v31, v20;
	v33 =	vadd.s32 v60, v33  }
0x64: {  	v18 =	vshra.s32 v18, $0x1F;
	v20 =	vadd.s32 v32, v20;
	v30 =	vadd.s32 v61, v33  }
0x65: {  	v21 =	vadd.s32 v15, v21;
	v18 =	vadd.s32 v18, v20;
	v30 =	vadd.s32 v62, v30  }
0x66: {  	s6 =	simm.s32 $0x90;
	v20 =	vshra.s32 v41, $0x1F;
	v18 =	vadd.s32 v28, v18;
	v30 =	vadd.s32 v63, v30  }
0x67: {  	s4 =	simm.s32 $0x1090;
	[tilespmem:s6+$0xFFFFFFF0] =	vst v22;
	v22 =	vshra.s32 v38, $0x1F;
	v18 =	vadd.s32 v29, v18;
	v20 =	vadd.s32 v20, v30  }
0x68: {  	[tilespmem:s4+$0xFFFFFFF0] =	vst v21;
	v21 =	vshra.s32 v39, $0x1F;
	v20 =	vadd.s32 v22, v20;
	v22 =	vadd.s32 v25, v18  }
0x69: {  	s7 =	sadd.s32 $0x10, s5;
	s3 =	sadd.s32 $0x800, s2;
	[tilespmem:s6+$0x0] =	vst v24;
	v18 =	vadd.s32 v21, v20;
	v21 =	vshra.s32 v19, $0x1F;
	v22 =	vadd.s32 v26, v22  }
0x6a: {  	s2 =	sadd.s32 $0x2800, s2;
	s5 =	simm.s32 $0xB0;
	s6 =	simm.s32 $0x2;
	[tilespmem:s4+$0x0] =	vst v27;
	v19 =	vshra.s32 v23, $0x1F;
	v20 =	vadd.s32 v16, v18;
	v21 =	vadd.s32 v21, v22  }
.LBB2_1:
0x6b: {  	v22 =	vor.u32 s7, v17;
	[tilespmem:s5+$0xFFFFFFF0] =	vst v20;
	v18 =	vadd.s32 v15, v18;
	v19 =	vadd.s32 v19, v21;
	s4 =	sadd.s32 $0x20, s4  }
0x6c: {  	v20 =	vsub.s32 v22, v13;
	v21 =	vsub.s32 v22, v14;
	[tilespmem:s4+$0xFFFFFFF0] =	vst v18;
	v18 =	vadd.s32 v16, v19  }
0x6d: {  	v23 =	vsub.s32 v22, v11;
	v24 =	vsub.s32 v22, v12;
	[tilespmem:s5+$0x0] =	vst v18;
	v18 =	vadd.s32 v15, v19  }
0x6e: {  	v25 =	vsub.s32 v22, v9;
	v26 =	vsub.s32 v22, v10;
	v19 =	vsub.s32 v22, v8;
	[tilespmem:s4+$0x0] =	vst v18  }
0x6f: {  	v27 =	vsub.s32 v22, v6;
	v28 =	vsub.s32 v22, v7;
	v18 =	vsub.s32 v22, v5  }
0x70: {  	s8 =	sadd.s32 $0xFFFFFFF8, s7;
	v29 =	vsub.s32 v22, v2;
	v30 =	vsub.s32 v22, v3;
	v31 =	vsub.s32 v22, v4  }
0x71: {  	v32 =	vor.u32 s8, v17;
	v33 =	vsub.s32 v22, v0;
	v22 =	vsub.s32 v22, v1  }
0x72: {  	v34 =	vsub.s32 v32, v13;
	v35 =	vsub.s32 v32, v14;
	v24 =	vshra.s32 v24, $0x1F  }
0x73: {  	v36 =	vsub.s32 v32, v11;
	v37 =	vsub.s32 v32, v12;
	v23 =	vshra.s32 v23, $0x1F  }
0x74: {  	v38 =	vsub.s32 v32, v10;
	v25 =	vshra.s32 v25, $0x1F;
	v26 =	vshra.s32 v26, $0x1F  }
0x75: {  	v39 =	vsub.s32 v32, v8;
	v40 =	vsub.s32 v32, v9;
	v19 =	vshra.s32 v19, $0x1F  }
0x76: {  	v41 =	vsub.s32 v32, v7;
	v27 =	vshra.s32 v27, $0x1F;
	v28 =	vshra.s32 v28, $0x1F  }
0x77: {  	v42 =	vsub.s32 v32, v5;
	v43 =	vsub.s32 v32, v6;
	v18 =	vshra.s32 v18, $0x1F  }
0x78: {  	v44 =	vsub.s32 v32, v4;
	v30 =	vshra.s32 v30, $0x1F;
	v31 =	vshra.s32 v31, $0x1F  }
0x79: {  	v45 =	vsub.s32 v32, v1;
	v46 =	vsub.s32 v32, v3;
	v29 =	vshra.s32 v29, $0x1F  }
0x7a: {  	s6 =	sadd.s32 $0x2, s6;
	v47 =	vsub.s32 v32, v0;
	v32 =	vsub.s32 v32, v2;
	v45 =	vshra.s32 v45, $0x1F  }
0x7b: {  	p0 =	slt.u32 s6, $0xFE;
	v33 =	vshra.s32 v33, $0x1F;
	v47 =	vshra.s32 v47, $0x1F;
	v45 =	vadd.s32 s8, v45  }
0x7c: {  	v32 =	vshra.s32 v32, $0x1F;
	v22 =	vshra.s32 v22, $0x1F;
	v45 =	vadd.s32 v47, v45  }
0x7d: {  	v46 =	vshra.s32 v46, $0x1F;
	v22 =	vadd.s32 s7, v22;
	v32 =	vadd.s32 v32, v45  }
0x7e: {  	v44 =	vshra.s32 v44, $0x1F;
	v22 =	vadd.s32 v33, v22;
	v32 =	vadd.s32 v46, v32  }
0x7f: {  	v33 =	vshra.s32 v42, $0x1F;
	v22 =	vadd.s32 v29, v22;
	v32 =	vadd.s32 v44, v32  }
0x80: {  	v29 =	vshra.s32 v43, $0x1F;
	v22 =	vadd.s32 v30, v22;
	v32 =	vadd.s32 v33, v32  }
0x81: {  	v30 =	vshra.s32 v41, $0x1F;
	v22 =	vadd.s32 v31, v22;
	v29 =	vadd.s32 v29, v32  }
0x82: {  	v31 =	vshra.s32 v39, $0x1F;
	v18 =	vadd.s32 v18, v22;
	v29 =	vadd.s32 v30, v29  }
0x83: {  	v22 =	vshra.s32 v40, $0x1F;
	v18 =	vadd.s32 v27, v18;
	v29 =	vadd.s32 v31, v29  }
0x84: {  	v27 =	vshra.s32 v38, $0x1F;
	v18 =	vadd.s32 v28, v18;
	v22 =	vadd.s32 v22, v29  }
0x85: {  	v28 =	vshra.s32 v36, $0x1F;
	v18 =	vadd.s32 v19, v18;
	v22 =	vadd.s32 v27, v22  }
.Ltmp0:
0x86: {  	v19 =	vshra.s32 v37, $0x1F;
	v18 =	vadd.s32 v25, v18;
	v22 =	vadd.s32 v28, v22;
	(pc) =	sbr.rel @p0 .LBB2_1-.Ltmp0, $4  }
0x87: {  	v25 =	vshra.s32 v34, $0x1F;
	v18 =	vadd.s32 v26, v18;
	v19 =	vadd.s32 v19, v22  }
0x88: {  	v22 =	vshra.s32 v35, $0x1F;
	v23 =	vadd.s32 v23, v18;
	v19 =	vadd.s32 v25, v19  }
0x89: {  	v23 =	vadd.s32 v24, v23;
	v18 =	vadd.s32 v22, v19;
	v22 =	vshra.s32 v20, $0x1F  }
0x8a: {  	s5 =	sadd.s32 $0x20, s5;
	s7 =	sadd.s32 $0x10, s7;
	v19 =	vshra.s32 v21, $0x1F;
	v20 =	vadd.s32 v16, v18;
	v21 =	vadd.s32 v22, v23  }
0x8b: {  	[tilespmem:s5+$0xFFFFFFF0] =	vst v20;
	v0 =	vadd.s32 v15, v18;
	v1 =	vadd.s32 v19, v21;
	s4 =	sadd.s32 $0x20, s4  }
0x8c: {  	[tilespmem:s4+$0xFFFFFFF0] =	vst v0;
	v62 =	vadd.s32 v16, v1  }
0x8d: {  	p0 =	seq.s32 s1, $0xF;
	v63 =	vadd.s32 v15, v1;
	[tilespmem:s5+$0x0] =	vst v62  }
0x8e: {  	s6 =	simm.s32 @p0 $0x80;
	s5 =	simm.s32 @p0 $0x0;
	[tilespmem:s4+$0x0] =	vst v63;
	s4 =	sadd.s32 @p0 $0x1E00, s3  }
0x8f: {  	[hbm4b:s4+s5] =	stream.linear.scatter @p0 [tilespmem:s6], [sflag:$0x1], $0xFE0, $0x38;
	[tilespmem:$0x2080] =	vst v63  }
0x90: {  	s4 =	simm.s32 @p0 $0x1  }
0x91: {  	_ =	swait.ge @p0 [sflag:s4], $0xFE0  }
0x92: {  	[sflag:s4] =	ssyncset.done @p0 $0x0  }
0x93: {  	s7 =	simm.s32 @p0 $0x1080;
	s6 =	sadd.s32 @p0 $0x1E00, s2;
	[sflag:s4] =	ssyncadd.s32 @p0 $0xFFFFF020  }
0x94: {  	[hbm4b:s6+s5] =	stream.linear.scatter @p0 [tilespmem:s7], [sflag:$0x1], $0xFE0, $0x38;
	[tilespmem:$0x2080] =	vst v63  }
0x95: {  	_ =	swait.ge @p0 [sflag:s4], $0xFE0  }
0x96: {  	[sflag:s4] =	ssyncset.done @p0 $0x0  }
0x97: {  	[sflag:s4] =	ssyncadd.s32 @p0 $0xFFFFF020;
	s4 =	sshll.u32 @!p0 s1, $0x9  }
0x98: {  	s5 =	simm.s32 @!p0 $0x0;
	s6 =	simm.s32 @!p0 $0x80;
	s3 =	sadd.s32 @!p0 s3, s4  }
0x99: {  	[hbm4b:s3+s5] =	stream.linear.scatter @!p0 [tilespmem:s6], [sflag:$0x1], $0x1000, $0x38;
	[tilespmem:$0x2080] =	vst v63  }
0x9a: {  	s3 =	simm.s32 @!p0 $0x1  }
0x9b: {  	_ =	swait.ge @!p0 [sflag:s3], $0x1000  }
0x9c: {  	[sflag:s3] =	ssyncset.done @!p0 $0x0  }
0x9d: {  	s2 =	sadd.s32 @!p0 s2, s4;
	s4 =	simm.s32 @!p0 $0x1080;
	[sflag:s3] =	ssyncadd.s32 @!p0 $0xFFFFF000  }
0x9e: {  	[hbm4b:s2+s5] =	stream.linear.scatter @!p0 [tilespmem:s4], [sflag:$0x1], $0x1000, $0x38;
	[tilespmem:$0x2080] =	vst v63  }
0x9f: {  	_ =	swait.ge @!p0 [sflag:s3], $0x1000  }
0xa0: {  	[sflag:s3] =	ssyncset.done @!p0 $0x0  }
0xa1: {  	[sflag:s3] =	ssyncadd.s32 @!p0 $0xFFFFF000  }
0xa2: {  	_ =	sfence.sel $0x180000  }
0xa3: {  	[bflag:$0x0] =	sbarrier.arrive $0xFFFF  }
0xa4: {  	p0 =	sne.s32 s1, $0x0;
	_ =	strace $0x90000047  }
0xa5: {  	s0 =	sadd.s32 @!p0 $0x100000, s0;
	[bflag:$0x2] =	sbarrier.arrive $0xFFFF  }
0xa6: {  	[sflag:s0] =	ssyncadd.tile.s32 @!p0 $0x1;
	_ =	shalt  }
.Lfunc_end2:
_tile_overlayer_lowered:
.L_overlay_start_2:
0xa7: {  	(tag) =	ssettag $0x2  }
0xa8: {  	s0 =	rddreg [dreg:$0x0];
	s2 =	stileid.u32  }
0xa9: {  	s1 =	rddreg [dreg:$0x1];
	p0 =	sne.s32 s2, $0x0  }
0xaa: {  	s3 =	rddreg [dreg:$0x2];
	[bflag:$0x3] =	sbarrier.arrive $0xFFFF;
	s2 =	simm.s32 @!p0 $0x1C01  }
0xab: {  	[timem:s3], [sflag:s2] =	dma.local @!p0 [hbm:s0], s1  }
0xac: {  	s0 =	simm.s32 @!p0 $0x1  }
0xad: {  	_ =	swait.ge @!p0 [sflag:s0], s1  }
0xae: {  	s1 =	ssub.s32 @!p0 $0x0, s1;
	[sflag:s0] =	ssyncset.done @!p0 $0x0  }
0xaf: {  	[sflag:s0] =	ssyncadd.s32 @!p0 s1  }
0xb0: {  	[bflag:$0x3] =	sbarrier.arrive $0xFFFF  }
0xb1: {  	_ =	shalt  }

</sc_bundles>
